<compile_context>
chip_gen: v7x
topology: tpu7x:2x2x1
jax: 0.10.2.dev20260603
libtpu: 0.0.44.dev20260713+nightly
codegen_flags: <defaults>
</compile_context>

<pallas_src>
import functools

import jax
import jax.numpy as jnp
from jax import lax
from jax.experimental import pallas as pl
from jax.experimental.pallas import tpu as pltpu
from jax.experimental.pallas import tpu_sc as plsc

N = 10000
D = 128
E = 320000
NC = 2
NS = 16
NW = NC * NS
EPW = E // NW
CHUNK = 128
NCHUNK = 80
PAD = NCHUNK * CHUNK - EPW
BLK = 4
NBLK = NCHUNK // BLK
NPAIR = NBLK // 2
NACC = N + 8
RPT = 624
TAIL = N - NS * RPT
LANES = 16

_mesh = plsc.VectorSubcoreMesh(core_axis_name="c", subcore_axis_name="s")


@functools.partial(
    pl.kernel,
    mesh=_mesh,
    out_type=jax.ShapeDtypeStruct((NC, N, D), jnp.float32),
    scratch_types=[
        pltpu.VMEM_SHARED((NACC, D), jnp.float32),
        pltpu.VMEM((2, BLK, 2, CHUNK), jnp.int32),
        pltpu.VMEM((2, CHUNK, D), jnp.float32),
        pltpu.SemaphoreType.DMA,
        pltpu.SemaphoreType.DMA,
        pltpu.SemaphoreType.DMA,
        pltpu.SemaphoreType.DMA,
        pltpu.SemaphoreType.DMA,
    ],
)
def _sc_gather_scatter(x_hbm, e_hbm, part_hbm,
                       acc, ebuf, rows_v, zsem, isem0, isem1, gsem0, gsem1):
    c = lax.axis_index("c")
    s = lax.axis_index("s")
    w = c * NS + s
    isems = (isem0, isem1)
    gsems = (gsem0, gsem1)

    pltpu.async_copy(e_hbm.at[w].at[pl.ds(0, BLK)], ebuf.at[0], isem0)
    pltpu.async_copy(e_hbm.at[w].at[pl.ds(BLK, BLK)], ebuf.at[1], isem1)

    zero = jnp.zeros((LANES,), jnp.float32)

    @pl.loop(0, CHUNK)
    def _(i):
        for j in range(D // LANES):
            rows_v[0, i, pl.ds(j * LANES, LANES)] = zero

    zcps = []
    for t in range(4):
        zcps.append(pltpu.async_copy(
            rows_v.at[0].at[pl.ds(0, CHUNK)],
            acc.at[pl.ds(s * RPT + t * CHUNK, CHUNK)], zsem))
    zcps.append(pltpu.async_copy(
        rows_v.at[0].at[pl.ds(0, RPT - 4 * CHUNK)],
        acc.at[pl.ds(s * RPT + 4 * CHUNK, RPT - 4 * CHUNK)], zsem))

    @pl.when(s == NS - 1)
    def _():
        pltpu.async_copy(rows_v.at[0].at[pl.ds(0, TAIL)],
                         acc.at[pl.ds(NS * RPT, TAIL)], zsem).wait()

    for cp in zcps:
        cp.wait()

    pltpu.make_async_copy(e_hbm.at[w].at[pl.ds(0, BLK)], ebuf.at[0],
                          isem0).wait()

    plsc.subcore_barrier()

    @pl.loop(0, NPAIR)
    def _(kp):
        for m in range(2 * BLK):
            p_cur = m // BLK
            r_cur = m % BLK

            if m == 0:
                @pl.when(kp > 0)
                def _():
                    pltpu.make_async_copy(e_hbm.at[w].at[pl.ds(0, BLK)],
                                          ebuf.at[0], isem0).wait()
            if m == BLK:
                pltpu.make_async_copy(e_hbm.at[w].at[pl.ds(0, BLK)],
                                      ebuf.at[1], isem1).wait()

            pltpu.sync_copy(x_hbm.at[ebuf.at[p_cur].at[r_cur].at[0]],
                            rows_v.at[0])
            pltpu.sync_copy(rows_v.at[0],
                            acc.at[ebuf.at[p_cur].at[r_cur].at[1]], add=True)

            if m == BLK - 1:
                @pl.when(kp < NPAIR - 1)
                def _():
                    pltpu.async_copy(
                        e_hbm.at[w].at[pl.ds((2 * kp + 2) * BLK, BLK)],
                        ebuf.at[0], isem0)
            if m == 2 * BLK - 1:
                @pl.when(kp < NPAIR - 1)
                def _():
                    pltpu.async_copy(
                        e_hbm.at[w].at[pl.ds((2 * kp + 3) * BLK, BLK)],
                        ebuf.at[1], isem1)

    plsc.subcore_barrier()

    pltpu.sync_copy(
        acc.at[pl.ds(s * RPT, RPT)],
        part_hbm.at[c].at[pl.ds(s * RPT, RPT)],
    )

    @pl.when(s == NS - 1)
    def _():
        pltpu.sync_copy(
            acc.at[pl.ds(NS * RPT, TAIL)],
            part_hbm.at[c].at[pl.ds(NS * RPT, TAIL)],
        )


def _add_partials(p_ref, o_ref):
    o_ref[...] = p_ref[0] + p_ref[1]


def kernel(x, edge_index):
    ei = edge_index.astype(jnp.int32)
    src = jnp.pad(ei[0].reshape(NW, EPW), ((0, 0), (0, PAD)),
                  constant_values=0)
    dst = jnp.pad(ei[1].reshape(NW, EPW), ((0, 0), (0, PAD)),
                  constant_values=N)
    e = jnp.stack([src.reshape(NW, NCHUNK, CHUNK),
                   dst.reshape(NW, NCHUNK, CHUNK)], axis=2)
    part = _sc_gather_scatter(x, e)
    out = pl.pallas_call(
        _add_partials,
        grid=(10,),
        in_specs=[pl.BlockSpec((NC, N // 10, D), lambda i: (0, i, 0))],
        out_specs=pl.BlockSpec((N // 10, D), lambda i: (i, 0)),
        out_shape=jax.ShapeDtypeStruct((N, D), jnp.float32),
    )(part)
    return out

# --- scband reference (transcript-rebuilt; emitter-appended) ---
"""Pipeline reference for scband-message-passing-9998683865750 (READ-ONLY COPY).

The authoritative reference and input builder live on the scoring server;
editing this copy changes nothing except your own understanding.
"""

import jax, jax.numpy as jnp
import numpy as np

N_NODES = 10000
N_EDGES = 320000
D_FEAT = 128


def setup_inputs(seed: int = 0) -> dict:
    key = jax.random.key(seed)
    k1, k2 = jax.random.split(key)
    x = jax.random.normal(k1, (N_NODES, D_FEAT), dtype=jnp.float32)
    edge_index = jax.random.randint(k2, (2, N_EDGES), 0, N_NODES, dtype=jnp.int64)
    return {"x": x, "edge_index": edge_index}


def reference(x, edge_index):
    # MessagePassing base with aggr='add', flow='source_to_target', node_dim=0.
    # propagate(edge_index, x=x):
    #   flow source_to_target -> i=1, j=0
    #   message(x_j) = x_j = x.index_select(0, edge_index[0])  (gather from source)
    #   aggregate: scatter-add of messages at index = edge_index[1] (dst), dim_size = N
    #   update: identity
    src = edge_index[0]
    dst = edge_index[1]
    x_j = jnp.take(x, src, axis=0)                 # gather: [E, d]
    out = jax.ops.segment_sum(x_j, dst, num_segments=x.shape[0])  # scatter-add: [N, d]
    return out

if __name__ == "__main__":
    import jax
    _d = setup_inputs()
    print(jax.jit(kernel)(*tuple(_d.values())))

</pallas_src>

<mosaic_0001>
#map = affine_map<(d0, d1) -> (0, 0)>
#map1 = affine_map<(d0, d1) -> (0, 0, 0, 0)>
#map2 = affine_map<(d0, d1) -> (0, 0, 0)>
module attributes {stable_mosaic.version = 14 : i64} {
  func.func @_sc_gather_scatter(%arg0: i32, %arg1: i32, %arg2: memref<10000x128xf32, #tpu.memory_space<hbm>>, %arg3: memref<32x80x2x128xi32, #tpu.memory_space<hbm>>, %arg4: memref<2x10000x128xf32, #tpu.memory_space<hbm>>, %arg5: memref<10008x128xf32, #tpu.memory_space<vmem_shared>>, %arg6: memref<2x4x2x128xi32, #tpu.memory_space<vmem>>, %arg7: memref<2x128x128xf32, #tpu.memory_space<vmem>>, %arg8: memref<!tpu.dma_semaphore, #tpu.memory_space<semaphore_mem>>, %arg9: memref<!tpu.dma_semaphore, #tpu.memory_space<semaphore_mem>>, %arg10: memref<!tpu.dma_semaphore, #tpu.memory_space<semaphore_mem>>, %arg11: memref<!tpu.dma_semaphore, #tpu.memory_space<semaphore_mem>>, %arg12: memref<!tpu.dma_semaphore, #tpu.memory_space<semaphore_mem>>) attributes {dimension_semantics = [#tpu.dimension_semantics<core_parallel>, #tpu.dimension_semantics<subcore_parallel>], iteration_bounds = array<i64: 2, 16>, scalar_prefetch = 0 : i64, scratch_operands = 8 : i64, tpu.core_type = #tpu.core_type<sc_vector_subcore>, window_params = [{transform_indices = #map}, {transform_indices = #map1}, {transform_indices = #map2}]} {
    %mul3A = arith.constant 16 : i32
    %mul3A_0 = arith.muli %arg0, %mul3A : i32
    %add3A = arith.addi %mul3A_0, %arg1 : i32
    %dma_start3A = arith.constant 0 : i32
    %dma_start3A_1 = arith.constant 0 : i32
    %dma_start3A_2 = arith.constant 0 : i32
    %dma_start3A_3 = arith.constant 0 : i32
    %dma_start3A_4 = tpu.memref_slice %arg6[%dma_start3A, %dma_start3A_1, %dma_start3A_2, %dma_start3A_3] : memref<2x4x2x128xi32, #tpu.memory_space<vmem>> -> memref<1x4x2x128xi32, #tpu.memory_space<vmem>>
    %dma_start3A_5 = tpu.memref_squeeze %dma_start3A_4 : memref<1x4x2x128xi32, #tpu.memory_space<vmem>> -> memref<4x2x128xi32, #tpu.memory_space<vmem>>
    %dma_start3A_6 = arith.constant 0 : i32
    %dma_start3A_7 = arith.constant 0 : i32
    %dma_start3A_8 = arith.constant 0 : i32
    %dma_start3A_9 = tpu.memref_slice %arg3[%add3A, %dma_start3A_6, %dma_start3A_7, %dma_start3A_8] : memref<32x80x2x128xi32, #tpu.memory_space<hbm>> -> memref<1x80x2x128xi32, #tpu.memory_space<hbm>>
    %dma_start3A_10 = tpu.memref_squeeze %dma_start3A_9 : memref<1x80x2x128xi32, #tpu.memory_space<hbm>> -> memref<80x2x128xi32, #tpu.memory_space<hbm>>
    %dma_start3A_11 = arith.constant 0 : i32
    %dma_start3A_12 = arith.constant 0 : i32
    %dma_start3A_13 = arith.constant 0 : i32
    %dma_start3A_14 = tpu.memref_slice %dma_start3A_10[%dma_start3A_11, %dma_start3A_12, %dma_start3A_13] : memref<80x2x128xi32, #tpu.memory_space<hbm>> -> memref<4x2x128xi32, #tpu.memory_space<hbm>>
    %dma_start3A_15 = arith.constant 0 : i32
    %dma_start3A_16 = arith.constant 0 : i32
    %dma_start3A_17 = arith.constant 0 : i32
    %dma_start3A_18 = tpu.memref_slice %arg6[%dma_start3A, %dma_start3A_15, %dma_start3A_16, %dma_start3A_17] : memref<2x4x2x128xi32, #tpu.memory_space<vmem>> -> memref<1x4x2x128xi32, #tpu.memory_space<vmem>>
    %dma_start3A_19 = tpu.memref_squeeze %dma_start3A_18 : memref<1x4x2x128xi32, #tpu.memory_space<vmem>> -> memref<4x2x128xi32, #tpu.memory_space<vmem>>
    %dma_start3A_20 = arith.constant 0 : i32
    %dma_start3A_21 = arith.constant 0 : i32
    %dma_start3A_22 = arith.constant 0 : i32
    %dma_start3A_23 = tpu.memref_slice %arg3[%add3A, %dma_start3A_20, %dma_start3A_21, %dma_start3A_22] : memref<32x80x2x128xi32, #tpu.memory_space<hbm>> -> memref<1x80x2x128xi32, #tpu.memory_space<hbm>>
    %dma_start3A_24 = tpu.memref_squeeze %dma_start3A_23 : memref<1x80x2x128xi32, #tpu.memory_space<hbm>> -> memref<80x2x128xi32, #tpu.memory_space<hbm>>
    %dma_start3A_25 = arith.constant 0 : i32
    %dma_start3A_26 = arith.constant 0 : i32
    %dma_start3A_27 = arith.constant 0 : i32
    %dma_start3A_28 = tpu.memref_slice %dma_start3A_24[%dma_start3A_25, %dma_start3A_26, %dma_start3A_27] : memref<80x2x128xi32, #tpu.memory_space<hbm>> -> memref<4x2x128xi32, #tpu.memory_space<hbm>>
    tpu.enqueue_dma source(%dma_start3A_28 : memref<4x2x128xi32, #tpu.memory_space<hbm>>) target(%dma_start3A_19 : memref<4x2x128xi32, #tpu.memory_space<vmem>>) target_semaphore(%arg9 : memref<!tpu.dma_semaphore, #tpu.memory_space<semaphore_mem>>)
    %dma_start3A_29 = arith.constant 1 : i32
    %dma_start3A_30 = arith.constant 0 : i32
    %dma_start3A_31 = arith.constant 0 : i32
    %dma_start3A_32 = arith.constant 0 : i32
    %dma_start3A_33 = tpu.memref_slice %arg6[%dma_start3A_29, %dma_start3A_30, %dma_start3A_31, %dma_start3A_32] : memref<2x4x2x128xi32, #tpu.memory_space<vmem>> -> memref<1x4x2x128xi32, #tpu.memory_space<vmem>>
    %dma_start3A_34 = tpu.memref_squeeze %dma_start3A_33 : memref<1x4x2x128xi32, #tpu.memory_space<vmem>> -> memref<4x2x128xi32, #tpu.memory_space<vmem>>
    %dma_start3A_35 = arith.constant 0 : i32
    %dma_start3A_36 = arith.constant 0 : i32
    %dma_start3A_37 = arith.constant 0 : i32
    %dma_start3A_38 = tpu.memref_slice %arg3[%add3A, %dma_start3A_35, %dma_start3A_36, %dma_start3A_37] : memref<32x80x2x128xi32, #tpu.memory_space<hbm>> -> memref<1x80x2x128xi32, #tpu.memory_space<hbm>>
    %dma_start3A_39 = tpu.memref_squeeze %dma_start3A_38 : memref<1x80x2x128xi32, #tpu.memory_space<hbm>> -> memref<80x2x128xi32, #tpu.memory_space<hbm>>
    %dma_start3A_40 = arith.constant 4 : i32
    %dma_start3A_41 = arith.constant 0 : i32
    %dma_start3A_42 = arith.constant 0 : i32
    %dma_start3A_43 = tpu.memref_slice %dma_start3A_39[%dma_start3A_40, %dma_start3A_41, %dma_start3A_42] : memref<80x2x128xi32, #tpu.memory_space<hbm>> -> memref<4x2x128xi32, #tpu.memory_space<hbm>>
    %dma_start3A_44 = arith.constant 0 : i32
    %dma_start3A_45 = arith.constant 0 : i32
    %dma_start3A_46 = arith.constant 0 : i32
    %dma_start3A_47 = tpu.memref_slice %arg6[%dma_start3A_29, %dma_start3A_44, %dma_start3A_45, %dma_start3A_46] : memref<2x4x2x128xi32, #tpu.memory_space<vmem>> -> memref<1x4x2x128xi32, #tpu.memory_space<vmem>>
    %dma_start3A_48 = tpu.memref_squeeze %dma_start3A_47 : memref<1x4x2x128xi32, #tpu.memory_space<vmem>> -> memref<4x2x128xi32, #tpu.memory_space<vmem>>
    %dma_start3A_49 = arith.constant 0 : i32
    %dma_start3A_50 = arith.constant 0 : i32
    %dma_start3A_51 = arith.constant 0 : i32
    %dma_start3A_52 = tpu.memref_slice %arg3[%add3A, %dma_start3A_49, %dma_start3A_50, %dma_start3A_51] : memref<32x80x2x128xi32, #tpu.memory_space<hbm>> -> memref<1x80x2x128xi32, #tpu.memory_space<hbm>>
    %dma_start3A_53 = tpu.memref_squeeze %dma_start3A_52 : memref<1x80x2x128xi32, #tpu.memory_space<hbm>> -> memref<80x2x128xi32, #tpu.memory_space<hbm>>
    %dma_start3A_54 = arith.constant 4 : i32
    %dma_start3A_55 = arith.constant 0 : i32
    %dma_start3A_56 = arith.constant 0 : i32
    %dma_start3A_57 = tpu.memref_slice %dma_start3A_53[%dma_start3A_54, %dma_start3A_55, %dma_start3A_56] : memref<80x2x128xi32, #tpu.memory_space<hbm>> -> memref<4x2x128xi32, #tpu.memory_space<hbm>>
    tpu.enqueue_dma source(%dma_start3A_57 : memref<4x2x128xi32, #tpu.memory_space<hbm>>) target(%dma_start3A_48 : memref<4x2x128xi32, #tpu.memory_space<vmem>>) target_semaphore(%arg10 : memref<!tpu.dma_semaphore, #tpu.memory_space<semaphore_mem>>)
    %broadcast_in_dim3A = arith.constant 0.000000e+00 : f32
    %broadcast_in_dim3A_58 = vector.broadcast %broadcast_in_dim3A : f32 to vector<16xf32>
    %scan3A = arith.constant 0 : i32
    %scan3A_59 = arith.constant 128 : i32
    %scan3A_60 = arith.addi %scan3A, %scan3A_59 : i32
    %scan3A_61 = arith.constant 1 : i32
    scf.for %scan3A_318 = %scan3A to %scan3A_60 step %scan3A_61  : i32 {
      %mul3A_319 = arith.constant 1 : i32
      %mul3A_320 = arith.muli %scan3A_318, %mul3A_319 : i32
      %add3A_321 = arith.constant 0 : i32
      %add3A_322 = arith.addi %add3A_321, %mul3A_320 : i32
      %swap3A = arith.constant 0 : i32
      %swap3A_323 = arith.index_cast %swap3A : i32 to index
      %swap3A_324 = arith.index_cast %add3A_322 : i32 to index
      %swap3A_325 = arith.constant 0 : index
      %swap3A_326 = tpu.vector_load %arg7[%swap3A_323, %swap3A_324, %swap3A_325] {strides = array<i32>} : memref<2x128x128xf32, #tpu.memory_space<vmem>>, vector<1x1x16xf32>,
      %swap3A_327 = vector.shape_cast %swap3A_326 : vector<1x1x16xf32> to vector<16xf32>
      %swap3A_328 = vector.shape_cast %broadcast_in_dim3A_58 : vector<16xf32> to vector<1x1x16xf32>
      tpu.vector_store %arg7[%swap3A_323, %swap3A_324, %swap3A_325], %swap3A_328 {strides = array<i32>} : memref<2x128x128xf32, #tpu.memory_space<vmem>>, vector<1x1x16xf32>,
      %swap3A_329 = arith.constant 0 : i32
      %swap3A_330 = arith.index_cast %swap3A_329 : i32 to index
      %swap3A_331 = arith.index_cast %add3A_322 : i32 to index
      %swap3A_332 = arith.constant 16 : index
      %swap3A_333 = tpu.vector_load %arg7[%swap3A_330, %swap3A_331, %swap3A_332] {strides = array<i32>} : memref<2x128x128xf32, #tpu.memory_space<vmem>>, vector<1x1x16xf32>,
      %swap3A_334 = vector.shape_cast %swap3A_333 : vector<1x1x16xf32> to vector<16xf32>
      %swap3A_335 = vector.shape_cast %broadcast_in_dim3A_58 : vector<16xf32> to vector<1x1x16xf32>
      tpu.vector_store %arg7[%swap3A_330, %swap3A_331, %swap3A_332], %swap3A_335 {strides = array<i32>} : memref<2x128x128xf32, #tpu.memory_space<vmem>>, vector<1x1x16xf32>,
      %swap3A_336 = arith.constant 0 : i32
      %swap3A_337 = arith.index_cast %swap3A_336 : i32 to index
      %swap3A_338 = arith.index_cast %add3A_322 : i32 to index
      %swap3A_339 = arith.constant 32 : index
      %swap3A_340 = tpu.vector_load %arg7[%swap3A_337, %swap3A_338, %swap3A_339] {strides = array<i32>} : memref<2x128x128xf32, #tpu.memory_space<vmem>>, vector<1x1x16xf32>,
      %swap3A_341 = vector.shape_cast %swap3A_340 : vector<1x1x16xf32> to vector<16xf32>
      %swap3A_342 = vector.shape_cast %broadcast_in_dim3A_58 : vector<16xf32> to vector<1x1x16xf32>
      tpu.vector_store %arg7[%swap3A_337, %swap3A_338, %swap3A_339], %swap3A_342 {strides = array<i32>} : memref<2x128x128xf32, #tpu.memory_space<vmem>>, vector<1x1x16xf32>,
      %swap3A_343 = arith.constant 0 : i32
      %swap3A_344 = arith.index_cast %swap3A_343 : i32 to index
      %swap3A_345 = arith.index_cast %add3A_322 : i32 to index
      %swap3A_346 = arith.constant 48 : index
      %swap3A_347 = tpu.vector_load %arg7[%swap3A_344, %swap3A_345, %swap3A_346] {strides = array<i32>} : memref<2x128x128xf32, #tpu.memory_space<vmem>>, vector<1x1x16xf32>,
      %swap3A_348 = vector.shape_cast %swap3A_347 : vector<1x1x16xf32> to vector<16xf32>
      %swap3A_349 = vector.shape_cast %broadcast_in_dim3A_58 : vector<16xf32> to vector<1x1x16xf32>
      tpu.vector_store %arg7[%swap3A_344, %swap3A_345, %swap3A_346], %swap3A_349 {strides = array<i32>} : memref<2x128x128xf32, #tpu.memory_space<vmem>>, vector<1x1x16xf32>,
      %swap3A_350 = arith.constant 0 : i32
      %swap3A_351 = arith.index_cast %swap3A_350 : i32 to index
      %swap3A_352 = arith.index_cast %add3A_322 : i32 to index
      %swap3A_353 = arith.constant 64 : index
      %swap3A_354 = tpu.vector_load %arg7[%swap3A_351, %swap3A_352, %swap3A_353] {strides = array<i32>} : memref<2x128x128xf32, #tpu.memory_space<vmem>>, vector<1x1x16xf32>,
      %swap3A_355 = vector.shape_cast %swap3A_354 : vector<1x1x16xf32> to vector<16xf32>
      %swap3A_356 = vector.shape_cast %broadcast_in_dim3A_58 : vector<16xf32> to vector<1x1x16xf32>
      tpu.vector_store %arg7[%swap3A_351, %swap3A_352, %swap3A_353], %swap3A_356 {strides = array<i32>} : memref<2x128x128xf32, #tpu.memory_space<vmem>>, vector<1x1x16xf32>,
      %swap3A_357 = arith.constant 0 : i32
      %swap3A_358 = arith.index_cast %swap3A_357 : i32 to index
      %swap3A_359 = arith.index_cast %add3A_322 : i32 to index
      %swap3A_360 = arith.constant 80 : index
      %swap3A_361 = tpu.vector_load %arg7[%swap3A_358, %swap3A_359, %swap3A_360] {strides = array<i32>} : memref<2x128x128xf32, #tpu.memory_space<vmem>>, vector<1x1x16xf32>,
      %swap3A_362 = vector.shape_cast %swap3A_361 : vector<1x1x16xf32> to vector<16xf32>
      %swap3A_363 = vector.shape_cast %broadcast_in_dim3A_58 : vector<16xf32> to vector<1x1x16xf32>
      tpu.vector_store %arg7[%swap3A_358, %swap3A_359, %swap3A_360], %swap3A_363 {strides = array<i32>} : memref<2x128x128xf32, #tpu.memory_space<vmem>>, vector<1x1x16xf32>,
      %swap3A_364 = arith.constant 0 : i32
      %swap3A_365 = arith.index_cast %swap3A_364 : i32 to index
      %swap3A_366 = arith.index_cast %add3A_322 : i32 to index
      %swap3A_367 = arith.constant 96 : index
      %swap3A_368 = tpu.vector_load %arg7[%swap3A_365, %swap3A_366, %swap3A_367] {strides = array<i32>} : memref<2x128x128xf32, #tpu.memory_space<vmem>>, vector<1x1x16xf32>,
      %swap3A_369 = vector.shape_cast %swap3A_368 : vector<1x1x16xf32> to vector<16xf32>
      %swap3A_370 = vector.shape_cast %broadcast_in_dim3A_58 : vector<16xf32> to vector<1x1x16xf32>
      tpu.vector_store %arg7[%swap3A_365, %swap3A_366, %swap3A_367], %swap3A_370 {strides = array<i32>} : memref<2x128x128xf32, #tpu.memory_space<vmem>>, vector<1x1x16xf32>,
      %swap3A_371 = arith.constant 0 : i32
      %swap3A_372 = arith.index_cast %swap3A_371 : i32 to index
      %swap3A_373 = arith.index_cast %add3A_322 : i32 to index
      %swap3A_374 = arith.constant 112 : index
      %swap3A_375 = tpu.vector_load %arg7[%swap3A_372, %swap3A_373, %swap3A_374] {strides = array<i32>} : memref<2x128x128xf32, #tpu.memory_space<vmem>>, vector<1x1x16xf32>,
      %swap3A_376 = vector.shape_cast %swap3A_375 : vector<1x1x16xf32> to vector<16xf32>
      %swap3A_377 = vector.shape_cast %broadcast_in_dim3A_58 : vector<16xf32> to vector<1x1x16xf32>
      tpu.vector_store %arg7[%swap3A_372, %swap3A_373, %swap3A_374], %swap3A_377 {strides = array<i32>} : memref<2x128x128xf32, #tpu.memory_space<vmem>>, vector<1x1x16xf32>,
    }
    %scan3A_62 = arith.constant 128 : i32
    %mul3A_63 = arith.constant 624 : i32
    %mul3A_64 = arith.muli %arg1, %mul3A_63 : i32
    %add3A_65 = arith.constant 0 : i32
    %add3A_66 = arith.addi %mul3A_64, %add3A_65 : i32
    %dma_start3A_67 = arith.constant 0 : i32
    %dma_start3A_68 = arith.constant 0 : i32
    %dma_start3A_69 = arith.constant 0 : i32
    %dma_start3A_70 = tpu.memref_slice %arg7[%dma_start3A_67, %dma_start3A_68, %dma_start3A_69] : memref<2x128x128xf32, #tpu.memory_space<vmem>> -> memref<1x128x128xf32, #tpu.memory_space<vmem>>
    %dma_start3A_71 = tpu.memref_squeeze %dma_start3A_70 : memref<1x128x128xf32, #tpu.memory_space<vmem>> -> memref<128x128xf32, #tpu.memory_space<vmem>>
    %dma_start3A_72 = arith.constant 0 : i32
    %dma_start3A_73 = arith.constant 0 : i32
    %dma_start3A_74 = tpu.memref_slice %dma_start3A_71[%dma_start3A_72, %dma_start3A_73] : memref<128x128xf32, #tpu.memory_space<vmem>> -> memref<128x128xf32, #tpu.memory_space<vmem>>
    %dma_start3A_75 = arith.constant 0 : i32
    %dma_start3A_76 = tpu.memref_slice %arg5[%add3A_66, %dma_start3A_75] : memref<10008x128xf32, #tpu.memory_space<vmem_shared>> -> memref<128x128xf32, #tpu.memory_space<vmem_shared>>
    %dma_start3A_77 = arith.constant 0 : i32
    %dma_start3A_78 = tpu.memref_slice %arg5[%add3A_66, %dma_start3A_77] : memref<10008x128xf32, #tpu.memory_space<vmem_shared>> -> memref<128x128xf32, #tpu.memory_space<vmem_shared>>
    %dma_start3A_79 = arith.constant 0 : i32
    %dma_start3A_80 = arith.constant 0 : i32
    %dma_start3A_81 = tpu.memref_slice %arg7[%dma_start3A_67, %dma_start3A_79, %dma_start3A_80] : memref<2x128x128xf32, #tpu.memory_space<vmem>> -> memref<1x128x128xf32, #tpu.memory_space<vmem>>
    %dma_start3A_82 = tpu.memref_squeeze %dma_start3A_81 : memref<1x128x128xf32, #tpu.memory_space<vmem>> -> memref<128x128xf32, #tpu.memory_space<vmem>>
    %dma_start3A_83 = arith.constant 0 : i32
    %dma_start3A_84 = arith.constant 0 : i32
    %dma_start3A_85 = tpu.memref_slice %dma_start3A_82[%dma_start3A_83, %dma_start3A_84] : memref<128x128xf32, #tpu.memory_space<vmem>> -> memref<128x128xf32, #tpu.memory_space<vmem>>
    tpu.enqueue_dma source(%dma_start3A_85 : memref<128x128xf32, #tpu.memory_space<vmem>>) target(%dma_start3A_78 : memref<128x128xf32, #tpu.memory_space<vmem_shared>>) target_semaphore(%arg8 : memref<!tpu.dma_semaphore, #tpu.memory_space<semaphore_mem>>)
    %mul3A_86 = arith.constant 624 : i32
    %mul3A_87 = arith.muli %arg1, %mul3A_86 : i32
    %add3A_88 = arith.constant 128 : i32
    %add3A_89 = arith.addi %mul3A_87, %add3A_88 : i32
    %dma_start3A_90 = arith.constant 0 : i32
    %dma_start3A_91 = arith.constant 0 : i32
    %dma_start3A_92 = arith.constant 0 : i32
    %dma_start3A_93 = tpu.memref_slice %arg7[%dma_start3A_90, %dma_start3A_91, %dma_start3A_92] : memref<2x128x128xf32, #tpu.memory_space<vmem>> -> memref<1x128x128xf32, #tpu.memory_space<vmem>>
    %dma_start3A_94 = tpu.memref_squeeze %dma_start3A_93 : memref<1x128x128xf32, #tpu.memory_space<vmem>> -> memref<128x128xf32, #tpu.memory_space<vmem>>
    %dma_start3A_95 = arith.constant 0 : i32
    %dma_start3A_96 = arith.constant 0 : i32
    %dma_start3A_97 = tpu.memref_slice %dma_start3A_94[%dma_start3A_95, %dma_start3A_96] : memref<128x128xf32, #tpu.memory_space<vmem>> -> memref<128x128xf32, #tpu.memory_space<vmem>>
    %dma_start3A_98 = arith.constant 0 : i32
    %dma_start3A_99 = tpu.memref_slice %arg5[%add3A_89, %dma_start3A_98] : memref<10008x128xf32, #tpu.memory_space<vmem_shared>> -> memref<128x128xf32, #tpu.memory_space<vmem_shared>>
    %dma_start3A_100 = arith.constant 0 : i32
    %dma_start3A_101 = tpu.memref_slice %arg5[%add3A_89, %dma_start3A_100] : memref<10008x128xf32, #tpu.memory_space<vmem_shared>> -> memref<128x128xf32, #tpu.memory_space<vmem_shared>>
    %dma_start3A_102 = arith.constant 0 : i32
    %dma_start3A_103 = arith.constant 0 : i32
    %dma_start3A_104 = tpu.memref_slice %arg7[%dma_start3A_90, %dma_start3A_102, %dma_start3A_103] : memref<2x128x128xf32, #tpu.memory_space<vmem>> -> memref<1x128x128xf32, #tpu.memory_space<vmem>>
    %dma_start3A_105 = tpu.memref_squeeze %dma_start3A_104 : memref<1x128x128xf32, #tpu.memory_space<vmem>> -> memref<128x128xf32, #tpu.memory_space<vmem>>
    %dma_start3A_106 = arith.constant 0 : i32
    %dma_start3A_107 = arith.constant 0 : i32
    %dma_start3A_108 = tpu.memref_slice %dma_start3A_105[%dma_start3A_106, %dma_start3A_107] : memref<128x128xf32, #tpu.memory_space<vmem>> -> memref<128x128xf32, #tpu.memory_space<vmem>>
    tpu.enqueue_dma source(%dma_start3A_108 : memref<128x128xf32, #tpu.memory_space<vmem>>) target(%dma_start3A_101 : memref<128x128xf32, #tpu.memory_space<vmem_shared>>) target_semaphore(%arg8 : memref<!tpu.dma_semaphore, #tpu.memory_space<semaphore_mem>>)
    %mul3A_109 = arith.constant 624 : i32
    %mul3A_110 = arith.muli %arg1, %mul3A_109 : i32
    %add3A_111 = arith.constant 256 : i32
    %add3A_112 = arith.addi %mul3A_110, %add3A_111 : i32
    %dma_start3A_113 = arith.constant 0 : i32
    %dma_start3A_114 = arith.constant 0 : i32
    %dma_start3A_115 = arith.constant 0 : i32
    %dma_start3A_116 = tpu.memref_slice %arg7[%dma_start3A_113, %dma_start3A_114, %dma_start3A_115] : memref<2x128x128xf32, #tpu.memory_space<vmem>> -> memref<1x128x128xf32, #tpu.memory_space<vmem>>
    %dma_start3A_117 = tpu.memref_squeeze %dma_start3A_116 : memref<1x128x128xf32, #tpu.memory_space<vmem>> -> memref<128x128xf32, #tpu.memory_space<vmem>>
    %dma_start3A_118 = arith.constant 0 : i32
    %dma_start3A_119 = arith.constant 0 : i32
    %dma_start3A_120 = tpu.memref_slice %dma_start3A_117[%dma_start3A_118, %dma_start3A_119] : memref<128x128xf32, #tpu.memory_space<vmem>> -> memref<128x128xf32, #tpu.memory_space<vmem>>
    %dma_start3A_121 = arith.constant 0 : i32
    %dma_start3A_122 = tpu.memref_slice %arg5[%add3A_112, %dma_start3A_121] : memref<10008x128xf32, #tpu.memory_space<vmem_shared>> -> memref<128x128xf32, #tpu.memory_space<vmem_shared>>
    %dma_start3A_123 = arith.constant 0 : i32
    %dma_start3A_124 = tpu.memref_slice %arg5[%add3A_112, %dma_start3A_123] : memref<10008x128xf32, #tpu.memory_space<vmem_shared>> -> memref<128x128xf32, #tpu.memory_space<vmem_shared>>
    %dma_start3A_125 = arith.constant 0 : i32
    %dma_start3A_126 = arith.constant 0 : i32
    %dma_start3A_127 = tpu.memref_slice %arg7[%dma_start3A_113, %dma_start3A_125, %dma_start3A_126] : memref<2x128x128xf32, #tpu.memory_space<vmem>> -> memref<1x128x128xf32, #tpu.memory_space<vmem>>
    %dma_start3A_128 = tpu.memref_squeeze %dma_start3A_127 : memref<1x128x128xf32, #tpu.memory_space<vmem>> -> memref<128x128xf32, #tpu.memory_space<vmem>>
    %dma_start3A_129 = arith.constant 0 : i32
    %dma_start3A_130 = arith.constant 0 : i32
    %dma_start3A_131 = tpu.memref_slice %dma_start3A_128[%dma_start3A_129, %dma_start3A_130] : memref<128x128xf32, #tpu.memory_space<vmem>> -> memref<128x128xf32, #tpu.memory_space<vmem>>
    tpu.enqueue_dma source(%dma_start3A_131 : memref<128x128xf32, #tpu.memory_space<vmem>>) target(%dma_start3A_124 : memref<128x128xf32, #tpu.memory_space<vmem_shared>>) target_semaphore(%arg8 : memref<!tpu.dma_semaphore, #tpu.memory_space<semaphore_mem>>)
    %mul3A_132 = arith.constant 624 : i32
    %mul3A_133 = arith.muli %arg1, %mul3A_132 : i32
    %add3A_134 = arith.constant 384 : i32
    %add3A_135 = arith.addi %mul3A_133, %add3A_134 : i32
    %dma_start3A_136 = arith.constant 0 : i32
    %dma_start3A_137 = arith.constant 0 : i32
    %dma_start3A_138 = arith.constant 0 : i32
    %dma_start3A_139 = tpu.memref_slice %arg7[%dma_start3A_136, %dma_start3A_137, %dma_start3A_138] : memref<2x128x128xf32, #tpu.memory_space<vmem>> -> memref<1x128x128xf32, #tpu.memory_space<vmem>>
    %dma_start3A_140 = tpu.memref_squeeze %dma_start3A_139 : memref<1x128x128xf32, #tpu.memory_space<vmem>> -> memref<128x128xf32, #tpu.memory_space<vmem>>
    %dma_start3A_141 = arith.constant 0 : i32
    %dma_start3A_142 = arith.constant 0 : i32
    %dma_start3A_143 = tpu.memref_slice %dma_start3A_140[%dma_start3A_141, %dma_start3A_142] : memref<128x128xf32, #tpu.memory_space<vmem>> -> memref<128x128xf32, #tpu.memory_space<vmem>>
    %dma_start3A_144 = arith.constant 0 : i32
    %dma_start3A_145 = tpu.memref_slice %arg5[%add3A_135, %dma_start3A_144] : memref<10008x128xf32, #tpu.memory_space<vmem_shared>> -> memref<128x128xf32, #tpu.memory_space<vmem_shared>>
    %dma_start3A_146 = arith.constant 0 : i32
    %dma_start3A_147 = tpu.memref_slice %arg5[%add3A_135, %dma_start3A_146] : memref<10008x128xf32, #tpu.memory_space<vmem_shared>> -> memref<128x128xf32, #tpu.memory_space<vmem_shared>>
    %dma_start3A_148 = arith.constant 0 : i32
    %dma_start3A_149 = arith.constant 0 : i32
    %dma_start3A_150 = tpu.memref_slice %arg7[%dma_start3A_136, %dma_start3A_148, %dma_start3A_149] : memref<2x128x128xf32, #tpu.memory_space<vmem>> -> memref<1x128x128xf32, #tpu.memory_space<vmem>>
    %dma_start3A_151 = tpu.memref_squeeze %dma_start3A_150 : memref<1x128x128xf32, #tpu.memory_space<vmem>> -> memref<128x128xf32, #tpu.memory_space<vmem>>
    %dma_start3A_152 = arith.constant 0 : i32
    %dma_start3A_153 = arith.constant 0 : i32
    %dma_start3A_154 = tpu.memref_slice %dma_start3A_151[%dma_start3A_152, %dma_start3A_153] : memref<128x128xf32, #tpu.memory_space<vmem>> -> memref<128x128xf32, #tpu.memory_space<vmem>>
    tpu.enqueue_dma source(%dma_start3A_154 : memref<128x128xf32, #tpu.memory_space<vmem>>) target(%dma_start3A_147 : memref<128x128xf32, #tpu.memory_space<vmem_shared>>) target_semaphore(%arg8 : memref<!tpu.dma_semaphore, #tpu.memory_space<semaphore_mem>>)
    %mul3A_155 = arith.constant 624 : i32
    %mul3A_156 = arith.muli %arg1, %mul3A_155 : i32
    %add3A_157 = arith.constant 512 : i32
    %add3A_158 = arith.addi %mul3A_156, %add3A_157 : i32
    %dma_start3A_159 = arith.constant 0 : i32
    %dma_start3A_160 = arith.constant 0 : i32
    %dma_start3A_161 = arith.constant 0 : i32
    %dma_start3A_162 = tpu.memref_slice %arg7[%dma_start3A_159, %dma_start3A_160, %dma_start3A_161] : memref<2x128x128xf32, #tpu.memory_space<vmem>> -> memref<1x128x128xf32, #tpu.memory_space<vmem>>
    %dma_start3A_163 = tpu.memref_squeeze %dma_start3A_162 : memref<1x128x128xf32, #tpu.memory_space<vmem>> -> memref<128x128xf32, #tpu.memory_space<vmem>>
    %dma_start3A_164 = arith.constant 0 : i32
    %dma_start3A_165 = arith.constant 0 : i32
    %dma_start3A_166 = tpu.memref_slice %dma_start3A_163[%dma_start3A_164, %dma_start3A_165] : memref<128x128xf32, #tpu.memory_space<vmem>> -> memref<112x128xf32, #tpu.memory_space<vmem>>
    %dma_start3A_167 = arith.constant 0 : i32
    %dma_start3A_168 = tpu.memref_slice %arg5[%add3A_158, %dma_start3A_167] : memref<10008x128xf32, #tpu.memory_space<vmem_shared>> -> memref<112x128xf32, #tpu.memory_space<vmem_shared>>
    %dma_start3A_169 = arith.constant 0 : i32
    %dma_start3A_170 = tpu.memref_slice %arg5[%add3A_158, %dma_start3A_169] : memref<10008x128xf32, #tpu.memory_space<vmem_shared>> -> memref<112x128xf32, #tpu.memory_space<vmem_shared>>
    %dma_start3A_171 = arith.constant 0 : i32
    %dma_start3A_172 = arith.constant 0 : i32
    %dma_start3A_173 = tpu.memref_slice %arg7[%dma_start3A_159, %dma_start3A_171, %dma_start3A_172] : memref<2x128x128xf32, #tpu.memory_space<vmem>> -> memref<1x128x128xf32, #tpu.memory_space<vmem>>
    %dma_start3A_174 = tpu.memref_squeeze %dma_start3A_173 : memref<1x128x128xf32, #tpu.memory_space<vmem>> -> memref<128x128xf32, #tpu.memory_space<vmem>>
    %dma_start3A_175 = arith.constant 0 : i32
    %dma_start3A_176 = arith.constant 0 : i32
    %dma_start3A_177 = tpu.memref_slice %dma_start3A_174[%dma_start3A_175, %dma_start3A_176] : memref<128x128xf32, #tpu.memory_space<vmem>> -> memref<112x128xf32, #tpu.memory_space<vmem>>
    tpu.enqueue_dma source(%dma_start3A_177 : memref<112x128xf32, #tpu.memory_space<vmem>>) target(%dma_start3A_170 : memref<112x128xf32, #tpu.memory_space<vmem_shared>>) target_semaphore(%arg8 : memref<!tpu.dma_semaphore, #tpu.memory_space<semaphore_mem>>)
    %eq3A = arith.constant 15 : i32
    %eq3A_178 = arith.cmpi eq, %arg1, %eq3A : i32
    %convert_element_type3A = arith.extui %eq3A_178 : i1 to i32
    %cond3A = arith.constant 0 : i32
    %cond3A_179 = arith.cmpi ne, %convert_element_type3A, %cond3A : i32
    scf.if %cond3A_179 {
      %dma_start3A_318 = arith.constant 0 : i32
      %dma_start3A_319 = arith.constant 0 : i32
      %dma_start3A_320 = arith.constant 0 : i32
      %dma_start3A_321 = tpu.memref_slice %arg7[%dma_start3A_318, %dma_start3A_319, %dma_start3A_320] : memref<2x128x128xf32, #tpu.memory_space<vmem>> -> memref<1x128x128xf32, #tpu.memory_space<vmem>>
      %dma_start3A_322 = tpu.memref_squeeze %dma_start3A_321 : memref<1x128x128xf32, #tpu.memory_space<vmem>> -> memref<128x128xf32, #tpu.memory_space<vmem>>
      %dma_start3A_323 = arith.constant 0 : i32
      %dma_start3A_324 = arith.constant 0 : i32
      %dma_start3A_325 = tpu.memref_slice %dma_start3A_322[%dma_start3A_323, %dma_start3A_324] : memref<128x128xf32, #tpu.memory_space<vmem>> -> memref<16x128xf32, #tpu.memory_space<vmem>>
      %dma_start3A_326 = arith.constant 9984 : i32
      %dma_start3A_327 = arith.constant 0 : i32
      %dma_start3A_328 = tpu.memref_slice %arg5[%dma_start3A_326, %dma_start3A_327] : memref<10008x128xf32, #tpu.memory_space<vmem_shared>> -> memref<16x128xf32, #tpu.memory_space<vmem_shared>>
      %dma_start3A_329 = arith.constant 9984 : i32
      %dma_start3A_330 = arith.constant 0 : i32
      %dma_start3A_331 = tpu.memref_slice %arg5[%dma_start3A_329, %dma_start3A_330] : memref<10008x128xf32, #tpu.memory_space<vmem_shared>> -> memref<16x128xf32, #tpu.memory_space<vmem_shared>>
      %dma_start3A_332 = arith.constant 0 : i32
      %dma_start3A_333 = arith.constant 0 : i32
      %dma_start3A_334 = tpu.memref_slice %arg7[%dma_start3A_318, %dma_start3A_332, %dma_start3A_333] : memref<2x128x128xf32, #tpu.memory_space<vmem>> -> memref<1x128x128xf32, #tpu.memory_space<vmem>>
      %dma_start3A_335 = tpu.memref_squeeze %dma_start3A_334 : memref<1x128x128xf32, #tpu.memory_space<vmem>> -> memref<128x128xf32, #tpu.memory_space<vmem>>
      %dma_start3A_336 = arith.constant 0 : i32
      %dma_start3A_337 = arith.constant 0 : i32
      %dma_start3A_338 = tpu.memref_slice %dma_start3A_335[%dma_start3A_336, %dma_start3A_337] : memref<128x128xf32, #tpu.memory_space<vmem>> -> memref<16x128xf32, #tpu.memory_space<vmem>>
      tpu.enqueue_dma source(%dma_start3A_338 : memref<16x128xf32, #tpu.memory_space<vmem>>) target(%dma_start3A_331 : memref<16x128xf32, #tpu.memory_space<vmem_shared>>) target_semaphore(%arg8 : memref<!tpu.dma_semaphore, #tpu.memory_space<semaphore_mem>>)
      %dma_wait3A_339 = arith.constant 0 : i32
      %dma_wait3A_340 = arith.constant 0 : i32
      %dma_wait3A_341 = arith.constant 0 : i32
      %dma_wait3A_342 = tpu.memref_slice %arg7[%dma_wait3A_339, %dma_wait3A_340, %dma_wait3A_341] : memref<2x128x128xf32, #tpu.memory_space<vmem>> -> memref<1x128x128xf32, #tpu.memory_space<vmem>>
      %dma_wait3A_343 = tpu.memref_squeeze %dma_wait3A_342 : memref<1x128x128xf32, #tpu.memory_space<vmem>> -> memref<128x128xf32, #tpu.memory_space<vmem>>
      %dma_wait3A_344 = arith.constant 0 : i32
      %dma_wait3A_345 = arith.constant 0 : i32
      %dma_wait3A_346 = tpu.memref_slice %dma_wait3A_343[%dma_wait3A_344, %dma_wait3A_345] : memref<128x128xf32, #tpu.memory_space<vmem>> -> memref<16x128xf32, #tpu.memory_space<vmem>>
      %dma_wait3A_347 = arith.constant 9984 : i32
      %dma_wait3A_348 = arith.constant 0 : i32
      %dma_wait3A_349 = tpu.memref_slice %arg5[%dma_wait3A_347, %dma_wait3A_348] : memref<10008x128xf32, #tpu.memory_space<vmem_shared>> -> memref<16x128xf32, #tpu.memory_space<vmem_shared>>
      %dma_wait3A_350 = arith.constant 9984 : i32
      %dma_wait3A_351 = arith.constant 0 : i32
      %dma_wait3A_352 = tpu.memref_slice %arg5[%dma_wait3A_350, %dma_wait3A_351] : memref<10008x128xf32, #tpu.memory_space<vmem_shared>> -> memref<16x128xf32, #tpu.memory_space<vmem_shared>>
      %dma_wait3A_353 = arith.constant 0 : i32
      %dma_wait3A_354 = arith.constant 0 : i32
      %dma_wait3A_355 = tpu.memref_slice %arg7[%dma_wait3A_339, %dma_wait3A_353, %dma_wait3A_354] : memref<2x128x128xf32, #tpu.memory_space<vmem>> -> memref<1x128x128xf32, #tpu.memory_space<vmem>>
      %dma_wait3A_356 = tpu.memref_squeeze %dma_wait3A_355 : memref<1x128x128xf32, #tpu.memory_space<vmem>> -> memref<128x128xf32, #tpu.memory_space<vmem>>
      %dma_wait3A_357 = arith.constant 0 : i32
      %dma_wait3A_358 = arith.constant 0 : i32
      %dma_wait3A_359 = tpu.memref_slice %dma_wait3A_356[%dma_wait3A_357, %dma_wait3A_358] : memref<128x128xf32, #tpu.memory_space<vmem>> -> memref<16x128xf32, #tpu.memory_space<vmem>>
      tpu.wait_dma2 semaphore(%arg8 : memref<!tpu.dma_semaphore, #tpu.memory_space<semaphore_mem>>) src(%dma_wait3A_359 : memref<16x128xf32, #tpu.memory_space<vmem>>) dst(%dma_wait3A_352 : memref<16x128xf32, #tpu.memory_space<vmem_shared>>)
    } else {
    }
    %dma_wait3A = arith.constant 0 : i32
    %dma_wait3A_180 = arith.constant 0 : i32
    %dma_wait3A_181 = arith.constant 0 : i32
    %dma_wait3A_182 = tpu.memref_slice %arg7[%dma_wait3A, %dma_wait3A_180, %dma_wait3A_181] : memref<2x128x128xf32, #tpu.memory_space<vmem>> -> memref<1x128x128xf32, #tpu.memory_space<vmem>>
    %dma_wait3A_183 = tpu.memref_squeeze %dma_wait3A_182 : memref<1x128x128xf32, #tpu.memory_space<vmem>> -> memref<128x128xf32, #tpu.memory_space<vmem>>
    %dma_wait3A_184 = arith.constant 0 : i32
    %dma_wait3A_185 = arith.constant 0 : i32
    %dma_wait3A_186 = tpu.memref_slice %dma_wait3A_183[%dma_wait3A_184, %dma_wait3A_185] : memref<128x128xf32, #tpu.memory_space<vmem>> -> memref<128x128xf32, #tpu.memory_space<vmem>>
    %dma_wait3A_187 = arith.constant 0 : i32
    %dma_wait3A_188 = tpu.memref_slice %arg5[%add3A_66, %dma_wait3A_187] : memref<10008x128xf32, #tpu.memory_space<vmem_shared>> -> memref<128x128xf32, #tpu.memory_space<vmem_shared>>
    %dma_wait3A_189 = arith.constant 0 : i32
    %dma_wait3A_190 = tpu.memref_slice %arg5[%add3A_66, %dma_wait3A_189] : memref<10008x128xf32, #tpu.memory_space<vmem_shared>> -> memref<128x128xf32, #tpu.memory_space<vmem_shared>>
    %dma_wait3A_191 = arith.constant 0 : i32
    %dma_wait3A_192 = arith.constant 0 : i32
    %dma_wait3A_193 = tpu.memref_slice %arg7[%dma_wait3A, %dma_wait3A_191, %dma_wait3A_192] : memref<2x128x128xf32, #tpu.memory_space<vmem>> -> memref<1x128x128xf32, #tpu.memory_space<vmem>>
    %dma_wait3A_194 = tpu.memref_squeeze %dma_wait3A_193 : memref<1x128x128xf32, #tpu.memory_space<vmem>> -> memref<128x128xf32, #tpu.memory_space<vmem>>
    %dma_wait3A_195 = arith.constant 0 : i32
    %dma_wait3A_196 = arith.constant 0 : i32
    %dma_wait3A_197 = tpu.memref_slice %dma_wait3A_194[%dma_wait3A_195, %dma_wait3A_196] : memref<128x128xf32, #tpu.memory_space<vmem>> -> memref<128x128xf32, #tpu.memory_space<vmem>>
    tpu.wait_dma2 semaphore(%arg8 : memref<!tpu.dma_semaphore, #tpu.memory_space<semaphore_mem>>) src(%dma_wait3A_197 : memref<128x128xf32, #tpu.memory_space<vmem>>) dst(%dma_wait3A_190 : memref<128x128xf32, #tpu.memory_space<vmem_shared>>)
    %dma_wait3A_198 = arith.constant 0 : i32
    %dma_wait3A_199 = arith.constant 0 : i32
    %dma_wait3A_200 = arith.constant 0 : i32
    %dma_wait3A_201 = tpu.memref_slice %arg7[%dma_wait3A_198, %dma_wait3A_199, %dma_wait3A_200] : memref<2x128x128xf32, #tpu.memory_space<vmem>> -> memref<1x128x128xf32, #tpu.memory_space<vmem>>
    %dma_wait3A_202 = tpu.memref_squeeze %dma_wait3A_201 : memref<1x128x128xf32, #tpu.memory_space<vmem>> -> memref<128x128xf32, #tpu.memory_space<vmem>>
    %dma_wait3A_203 = arith.constant 0 : i32
    %dma_wait3A_204 = arith.constant 0 : i32
    %dma_wait3A_205 = tpu.memref_slice %dma_wait3A_202[%dma_wait3A_203, %dma_wait3A_204] : memref<128x128xf32, #tpu.memory_space<vmem>> -> memref<128x128xf32, #tpu.memory_space<vmem>>
    %dma_wait3A_206 = arith.constant 0 : i32
    %dma_wait3A_207 = tpu.memref_slice %arg5[%add3A_89, %dma_wait3A_206] : memref<10008x128xf32, #tpu.memory_space<vmem_shared>> -> memref<128x128xf32, #tpu.memory_space<vmem_shared>>
    %dma_wait3A_208 = arith.constant 0 : i32
    %dma_wait3A_209 = tpu.memref_slice %arg5[%add3A_89, %dma_wait3A_208] : memref<10008x128xf32, #tpu.memory_space<vmem_shared>> -> memref<128x128xf32, #tpu.memory_space<vmem_shared>>
    %dma_wait3A_210 = arith.constant 0 : i32
    %dma_wait3A_211 = arith.constant 0 : i32
    %dma_wait3A_212 = tpu.memref_slice %arg7[%dma_wait3A_198, %dma_wait3A_210, %dma_wait3A_211] : memref<2x128x128xf32, #tpu.memory_space<vmem>> -> memref<1x128x128xf32, #tpu.memory_space<vmem>>
    %dma_wait3A_213 = tpu.memref_squeeze %dma_wait3A_212 : memref<1x128x128xf32, #tpu.memory_space<vmem>> -> memref<128x128xf32, #tpu.memory_space<vmem>>
    %dma_wait3A_214 = arith.constant 0 : i32
    %dma_wait3A_215 = arith.constant 0 : i32
    %dma_wait3A_216 = tpu.memref_slice %dma_wait3A_213[%dma_wait3A_214, %dma_wait3A_215] : memref<128x128xf32, #tpu.memory_space<vmem>> -> memref<128x128xf32, #tpu.memory_space<vmem>>
    tpu.wait_dma2 semaphore(%arg8 : memref<!tpu.dma_semaphore, #tpu.memory_space<semaphore_mem>>) src(%dma_wait3A_216 : memref<128x128xf32, #tpu.memory_space<vmem>>) dst(%dma_wait3A_209 : memref<128x128xf32, #tpu.memory_space<vmem_shared>>)
    %dma_wait3A_217 = arith.constant 0 : i32
    %dma_wait3A_218 = arith.constant 0 : i32
    %dma_wait3A_219 = arith.constant 0 : i32
    %dma_wait3A_220 = tpu.memref_slice %arg7[%dma_wait3A_217, %dma_wait3A_218, %dma_wait3A_219] : memref<2x128x128xf32, #tpu.memory_space<vmem>> -> memref<1x128x128xf32, #tpu.memory_space<vmem>>
    %dma_wait3A_221 = tpu.memref_squeeze %dma_wait3A_220 : memref<1x128x128xf32, #tpu.memory_space<vmem>> -> memref<128x128xf32, #tpu.memory_space<vmem>>
    %dma_wait3A_222 = arith.constant 0 : i32
    %dma_wait3A_223 = arith.constant 0 : i32
    %dma_wait3A_224 = tpu.memref_slice %dma_wait3A_221[%dma_wait3A_222, %dma_wait3A_223] : memref<128x128xf32, #tpu.memory_space<vmem>> -> memref<128x128xf32, #tpu.memory_space<vmem>>
    %dma_wait3A_225 = arith.constant 0 : i32
    %dma_wait3A_226 = tpu.memref_slice %arg5[%add3A_112, %dma_wait3A_225] : memref<10008x128xf32, #tpu.memory_space<vmem_shared>> -> memref<128x128xf32, #tpu.memory_space<vmem_shared>>
    %dma_wait3A_227 = arith.constant 0 : i32
    %dma_wait3A_228 = tpu.memref_slice %arg5[%add3A_112, %dma_wait3A_227] : memref<10008x128xf32, #tpu.memory_space<vmem_shared>> -> memref<128x128xf32, #tpu.memory_space<vmem_shared>>
    %dma_wait3A_229 = arith.constant 0 : i32
    %dma_wait3A_230 = arith.constant 0 : i32
    %dma_wait3A_231 = tpu.memref_slice %arg7[%dma_wait3A_217, %dma_wait3A_229, %dma_wait3A_230] : memref<2x128x128xf32, #tpu.memory_space<vmem>> -> memref<1x128x128xf32, #tpu.memory_space<vmem>>
    %dma_wait3A_232 = tpu.memref_squeeze %dma_wait3A_231 : memref<1x128x128xf32, #tpu.memory_space<vmem>> -> memref<128x128xf32, #tpu.memory_space<vmem>>
    %dma_wait3A_233 = arith.constant 0 : i32
    %dma_wait3A_234 = arith.constant 0 : i32
    %dma_wait3A_235 = tpu.memref_slice %dma_wait3A_232[%dma_wait3A_233, %dma_wait3A_234] : memref<128x128xf32, #tpu.memory_space<vmem>> -> memref<128x128xf32, #tpu.memory_space<vmem>>
    tpu.wait_dma2 semaphore(%arg8 : memref<!tpu.dma_semaphore, #tpu.memory_space<semaphore_mem>>) src(%dma_wait3A_235 : memref<128x128xf32, #tpu.memory_space<vmem>>) dst(%dma_wait3A_228 : memref<128x128xf32, #tpu.memory_space<vmem_shared>>)
    %dma_wait3A_236 = arith.constant 0 : i32
    %dma_wait3A_237 = arith.constant 0 : i32
    %dma_wait3A_238 = arith.constant 0 : i32
    %dma_wait3A_239 = tpu.memref_slice %arg7[%dma_wait3A_236, %dma_wait3A_237, %dma_wait3A_238] : memref<2x128x128xf32, #tpu.memory_space<vmem>> -> memref<1x128x128xf32, #tpu.memory_space<vmem>>
    %dma_wait3A_240 = tpu.memref_squeeze %dma_wait3A_239 : memref<1x128x128xf32, #tpu.memory_space<vmem>> -> memref<128x128xf32, #tpu.memory_space<vmem>>
    %dma_wait3A_241 = arith.constant 0 : i32
    %dma_wait3A_242 = arith.constant 0 : i32
    %dma_wait3A_243 = tpu.memref_slice %dma_wait3A_240[%dma_wait3A_241, %dma_wait3A_242] : memref<128x128xf32, #tpu.memory_space<vmem>> -> memref<128x128xf32, #tpu.memory_space<vmem>>
    %dma_wait3A_244 = arith.constant 0 : i32
    %dma_wait3A_245 = tpu.memref_slice %arg5[%add3A_135, %dma_wait3A_244] : memref<10008x128xf32, #tpu.memory_space<vmem_shared>> -> memref<128x128xf32, #tpu.memory_space<vmem_shared>>
    %dma_wait3A_246 = arith.constant 0 : i32
    %dma_wait3A_247 = tpu.memref_slice %arg5[%add3A_135, %dma_wait3A_246] : memref<10008x128xf32, #tpu.memory_space<vmem_shared>> -> memref<128x128xf32, #tpu.memory_space<vmem_shared>>
    %dma_wait3A_248 = arith.constant 0 : i32
    %dma_wait3A_249 = arith.constant 0 : i32
    %dma_wait3A_250 = tpu.memref_slice %arg7[%dma_wait3A_236, %dma_wait3A_248, %dma_wait3A_249] : memref<2x128x128xf32, #tpu.memory_space<vmem>> -> memref<1x128x128xf32, #tpu.memory_space<vmem>>
    %dma_wait3A_251 = tpu.memref_squeeze %dma_wait3A_250 : memref<1x128x128xf32, #tpu.memory_space<vmem>> -> memref<128x128xf32, #tpu.memory_space<vmem>>
    %dma_wait3A_252 = arith.constant 0 : i32
    %dma_wait3A_253 = arith.constant 0 : i32
    %dma_wait3A_254 = tpu.memref_slice %dma_wait3A_251[%dma_wait3A_252, %dma_wait3A_253] : memref<128x128xf32, #tpu.memory_space<vmem>> -> memref<128x128xf32, #tpu.memory_space<vmem>>
    tpu.wait_dma2 semaphore(%arg8 : memref<!tpu.dma_semaphore, #tpu.memory_space<semaphore_mem>>) src(%dma_wait3A_254 : memref<128x128xf32, #tpu.memory_space<vmem>>) dst(%dma_wait3A_247 : memref<128x128xf32, #tpu.memory_space<vmem_shared>>)
    %dma_wait3A_255 = arith.constant 0 : i32
    %dma_wait3A_256 = arith.constant 0 : i32
    %dma_wait3A_257 = arith.constant 0 : i32
    %dma_wait3A_258 = tpu.memref_slice %arg7[%dma_wait3A_255, %dma_wait3A_256, %dma_wait3A_257] : memref<2x128x128xf32, #tpu.memory_space<vmem>> -> memref<1x128x128xf32, #tpu.memory_space<vmem>>
    %dma_wait3A_259 = tpu.memref_squeeze %dma_wait3A_258 : memref<1x128x128xf32, #tpu.memory_space<vmem>> -> memref<128x128xf32, #tpu.memory_space<vmem>>
    %dma_wait3A_260 = arith.constant 0 : i32
    %dma_wait3A_261 = arith.constant 0 : i32
    %dma_wait3A_262 = tpu.memref_slice %dma_wait3A_259[%dma_wait3A_260, %dma_wait3A_261] : memref<128x128xf32, #tpu.memory_space<vmem>> -> memref<112x128xf32, #tpu.memory_space<vmem>>
    %dma_wait3A_263 = arith.constant 0 : i32
    %dma_wait3A_264 = tpu.memref_slice %arg5[%add3A_158, %dma_wait3A_263] : memref<10008x128xf32, #tpu.memory_space<vmem_shared>> -> memref<112x128xf32, #tpu.memory_space<vmem_shared>>
    %dma_wait3A_265 = arith.constant 0 : i32
    %dma_wait3A_266 = tpu.memref_slice %arg5[%add3A_158, %dma_wait3A_265] : memref<10008x128xf32, #tpu.memory_space<vmem_shared>> -> memref<112x128xf32, #tpu.memory_space<vmem_shared>>
    %dma_wait3A_267 = arith.constant 0 : i32
    %dma_wait3A_268 = arith.constant 0 : i32
    %dma_wait3A_269 = tpu.memref_slice %arg7[%dma_wait3A_255, %dma_wait3A_267, %dma_wait3A_268] : memref<2x128x128xf32, #tpu.memory_space<vmem>> -> memref<1x128x128xf32, #tpu.memory_space<vmem>>
    %dma_wait3A_270 = tpu.memref_squeeze %dma_wait3A_269 : memref<1x128x128xf32, #tpu.memory_space<vmem>> -> memref<128x128xf32, #tpu.memory_space<vmem>>
    %dma_wait3A_271 = arith.constant 0 : i32
    %dma_wait3A_272 = arith.constant 0 : i32
    %dma_wait3A_273 = tpu.memref_slice %dma_wait3A_270[%dma_wait3A_271, %dma_wait3A_272] : memref<128x128xf32, #tpu.memory_space<vmem>> -> memref<112x128xf32, #tpu.memory_space<vmem>>
    tpu.wait_dma2 semaphore(%arg8 : memref<!tpu.dma_semaphore, #tpu.memory_space<semaphore_mem>>) src(%dma_wait3A_273 : memref<112x128xf32, #tpu.memory_space<vmem>>) dst(%dma_wait3A_266 : memref<112x128xf32, #tpu.memory_space<vmem_shared>>)
    %dma_wait3A_274 = arith.constant 0 : i32
    %dma_wait3A_275 = arith.constant 0 : i32
    %dma_wait3A_276 = arith.constant 0 : i32
    %dma_wait3A_277 = arith.constant 0 : i32
    %dma_wait3A_278 = tpu.memref_slice %arg6[%dma_wait3A_274, %dma_wait3A_275, %dma_wait3A_276, %dma_wait3A_277] : memref<2x4x2x128xi32, #tpu.memory_space<vmem>> -> memref<1x4x2x128xi32, #tpu.memory_space<vmem>>
    %dma_wait3A_279 = tpu.memref_squeeze %dma_wait3A_278 : memref<1x4x2x128xi32, #tpu.memory_space<vmem>> -> memref<4x2x128xi32, #tpu.memory_space<vmem>>
    %dma_wait3A_280 = arith.constant 0 : i32
    %dma_wait3A_281 = arith.constant 0 : i32
    %dma_wait3A_282 = arith.constant 0 : i32
    %dma_wait3A_283 = tpu.memref_slice %arg3[%add3A, %dma_wait3A_280, %dma_wait3A_281, %dma_wait3A_282] : memref<32x80x2x128xi32, #tpu.memory_space<hbm>> -> memref<1x80x2x128xi32, #tpu.memory_space<hbm>>
    %dma_wait3A_284 = tpu.memref_squeeze %dma_wait3A_283 : memref<1x80x2x128xi32, #tpu.memory_space<hbm>> -> memref<80x2x128xi32, #tpu.memory_space<hbm>>
    %dma_wait3A_285 = arith.constant 0 : i32
    %dma_wait3A_286 = arith.constant 0 : i32
    %dma_wait3A_287 = arith.constant 0 : i32
    %dma_wait3A_288 = tpu.memref_slice %dma_wait3A_284[%dma_wait3A_285, %dma_wait3A_286, %dma_wait3A_287] : memref<80x2x128xi32, #tpu.memory_space<hbm>> -> memref<4x2x128xi32, #tpu.memory_space<hbm>>
    %dma_wait3A_289 = arith.constant 0 : i32
    %dma_wait3A_290 = arith.constant 0 : i32
    %dma_wait3A_291 = arith.constant 0 : i32
    %dma_wait3A_292 = tpu.memref_slice %arg6[%dma_wait3A_274, %dma_wait3A_289, %dma_wait3A_290, %dma_wait3A_291] : memref<2x4x2x128xi32, #tpu.memory_space<vmem>> -> memref<1x4x2x128xi32, #tpu.memory_space<vmem>>
    %dma_wait3A_293 = tpu.memref_squeeze %dma_wait3A_292 : memref<1x4x2x128xi32, #tpu.memory_space<vmem>> -> memref<4x2x128xi32, #tpu.memory_space<vmem>>
    %dma_wait3A_294 = arith.constant 0 : i32
    %dma_wait3A_295 = arith.constant 0 : i32
    %dma_wait3A_296 = arith.constant 0 : i32
    %dma_wait3A_297 = tpu.memref_slice %arg3[%add3A, %dma_wait3A_294, %dma_wait3A_295, %dma_wait3A_296] : memref<32x80x2x128xi32, #tpu.memory_space<hbm>> -> memref<1x80x2x128xi32, #tpu.memory_space<hbm>>
    %dma_wait3A_298 = tpu.memref_squeeze %dma_wait3A_297 : memref<1x80x2x128xi32, #tpu.memory_space<hbm>> -> memref<80x2x128xi32, #tpu.memory_space<hbm>>
    %dma_wait3A_299 = arith.constant 0 : i32
    %dma_wait3A_300 = arith.constant 0 : i32
    %dma_wait3A_301 = arith.constant 0 : i32
    %dma_wait3A_302 = tpu.memref_slice %dma_wait3A_298[%dma_wait3A_299, %dma_wait3A_300, %dma_wait3A_301] : memref<80x2x128xi32, #tpu.memory_space<hbm>> -> memref<4x2x128xi32, #tpu.memory_space<hbm>>
    tpu.wait_dma2 semaphore(%arg9 : memref<!tpu.dma_semaphore, #tpu.memory_space<semaphore_mem>>) src(%dma_wait3A_302 : memref<4x2x128xi32, #tpu.memory_space<hbm>>) dst(%dma_wait3A_293 : memref<4x2x128xi32, #tpu.memory_space<vmem>>)
    %barrier3A = arith.constant 0 : index
    tpu.barrier barrier_id(%barrier3A)
    %scan3A_303 = arith.constant 0 : i32
    %scan3A_304 = arith.constant 10 : i32
    %scan3A_305 = arith.addi %scan3A_303, %scan3A_304 : i32
    %scan3A_306 = arith.constant 1 : i32
    scf.for %scan3A_318 = %scan3A_303 to %scan3A_305 step %scan3A_306  : i32 {
      %mul3A_319 = arith.constant 1 : i32
      %mul3A_320 = arith.muli %scan3A_318, %mul3A_319 : i32
      %add3A_321 = arith.constant 0 : i32
      %add3A_322 = arith.addi %add3A_321, %mul3A_320 : i32
      %gt3A = arith.constant 0 : i32
      %gt3A_323 = arith.cmpi sgt, %add3A_322, %gt3A : i32
      %convert_element_type3A_324 = arith.extui %gt3A_323 : i1 to i32
      %cond3A_325 = arith.constant 0 : i32
      %cond3A_326 = arith.cmpi ne, %convert_element_type3A_324, %cond3A_325 : i32
      scf.if %cond3A_326 {
        %dma_wait3A_428 = arith.constant 0 : i32
        %dma_wait3A_429 = arith.constant 0 : i32
        %dma_wait3A_430 = arith.constant 0 : i32
        %dma_wait3A_431 = arith.constant 0 : i32
        %dma_wait3A_432 = tpu.memref_slice %arg6[%dma_wait3A_428, %dma_wait3A_429, %dma_wait3A_430, %dma_wait3A_431] : memref<2x4x2x128xi32, #tpu.memory_space<vmem>> -> memref<1x4x2x128xi32, #tpu.memory_space<vmem>>
        %dma_wait3A_433 = tpu.memref_squeeze %dma_wait3A_432 : memref<1x4x2x128xi32, #tpu.memory_space<vmem>> -> memref<4x2x128xi32, #tpu.memory_space<vmem>>
        %dma_wait3A_434 = arith.constant 0 : i32
        %dma_wait3A_435 = arith.constant 0 : i32
        %dma_wait3A_436 = arith.constant 0 : i32
        %dma_wait3A_437 = tpu.memref_slice %arg3[%add3A, %dma_wait3A_434, %dma_wait3A_435, %dma_wait3A_436] : memref<32x80x2x128xi32, #tpu.memory_space<hbm>> -> memref<1x80x2x128xi32, #tpu.memory_space<hbm>>
        %dma_wait3A_438 = tpu.memref_squeeze %dma_wait3A_437 : memref<1x80x2x128xi32, #tpu.memory_space<hbm>> -> memref<80x2x128xi32, #tpu.memory_space<hbm>>
        %dma_wait3A_439 = arith.constant 0 : i32
        %dma_wait3A_440 = arith.constant 0 : i32
        %dma_wait3A_441 = arith.constant 0 : i32
        %dma_wait3A_442 = tpu.memref_slice %dma_wait3A_438[%dma_wait3A_439, %dma_wait3A_440, %dma_wait3A_441] : memref<80x2x128xi32, #tpu.memory_space<hbm>> -> memref<4x2x128xi32, #tpu.memory_space<hbm>>
        %dma_wait3A_443 = arith.constant 0 : i32
        %dma_wait3A_444 = arith.constant 0 : i32
        %dma_wait3A_445 = arith.constant 0 : i32
        %dma_wait3A_446 = tpu.memref_slice %arg6[%dma_wait3A_428, %dma_wait3A_443, %dma_wait3A_444, %dma_wait3A_445] : memref<2x4x2x128xi32, #tpu.memory_space<vmem>> -> memref<1x4x2x128xi32, #tpu.memory_space<vmem>>
        %dma_wait3A_447 = tpu.memref_squeeze %dma_wait3A_446 : memref<1x4x2x128xi32, #tpu.memory_space<vmem>> -> memref<4x2x128xi32, #tpu.memory_space<vmem>>
        %dma_wait3A_448 = arith.constant 0 : i32
        %dma_wait3A_449 = arith.constant 0 : i32
        %dma_wait3A_450 = arith.constant 0 : i32
        %dma_wait3A_451 = tpu.memref_slice %arg3[%add3A, %dma_wait3A_448, %dma_wait3A_449, %dma_wait3A_450] : memref<32x80x2x128xi32, #tpu.memory_space<hbm>> -> memref<1x80x2x128xi32, #tpu.memory_space<hbm>>
        %dma_wait3A_452 = tpu.memref_squeeze %dma_wait3A_451 : memref<1x80x2x128xi32, #tpu.memory_space<hbm>> -> memref<80x2x128xi32, #tpu.memory_space<hbm>>
        %dma_wait3A_453 = arith.constant 0 : i32
        %dma_wait3A_454 = arith.constant 0 : i32
        %dma_wait3A_455 = arith.constant 0 : i32
        %dma_wait3A_456 = tpu.memref_slice %dma_wait3A_452[%dma_wait3A_453, %dma_wait3A_454, %dma_wait3A_455] : memref<80x2x128xi32, #tpu.memory_space<hbm>> -> memref<4x2x128xi32, #tpu.memory_space<hbm>>
        tpu.wait_dma2 semaphore(%arg9 : memref<!tpu.dma_semaphore, #tpu.memory_space<semaphore_mem>>) src(%dma_wait3A_456 : memref<4x2x128xi32, #tpu.memory_space<hbm>>) dst(%dma_wait3A_447 : memref<4x2x128xi32, #tpu.memory_space<vmem>>)
      } else {
      }
      %run_scoped3A = arith.constant 0 : i32
      %run_scoped3A_327 = arith.constant 0 : i32
      %run_scoped3A_328 = arith.constant 0 : i32
      %run_scoped3A_329 = arith.constant 0 : i32
      "tpu.region"() ({
        %run_scoped3A_428 = tpu.sem_alloc : memref<!tpu.dma_semaphore, #tpu.memory_space<semaphore_mem>>
        %dma_start3A_429 = arith.constant 0 : i32
        %dma_start3A_430 = arith.constant 0 : i32
        %dma_start3A_431 = tpu.memref_slice %arg7[%run_scoped3A_329, %dma_start3A_429, %dma_start3A_430] : memref<2x128x128xf32, #tpu.memory_space<vmem>> -> memref<1x128x128xf32, #tpu.memory_space<vmem>>
        %dma_start3A_432 = tpu.memref_squeeze %dma_start3A_431 : memref<1x128x128xf32, #tpu.memory_space<vmem>> -> memref<128x128xf32, #tpu.memory_space<vmem>>
        %dma_start3A_433 = arith.constant 0 : i32
        %dma_start3A_434 = arith.constant 0 : i32
        %dma_start3A_435 = arith.constant 0 : i32
        %dma_start3A_436 = tpu.memref_slice %arg6[%run_scoped3A, %dma_start3A_433, %dma_start3A_434, %dma_start3A_435] : memref<2x4x2x128xi32, #tpu.memory_space<vmem>> -> memref<1x4x2x128xi32, #tpu.memory_space<vmem>>
        %dma_start3A_437 = tpu.memref_squeeze %dma_start3A_436 : memref<1x4x2x128xi32, #tpu.memory_space<vmem>> -> memref<4x2x128xi32, #tpu.memory_space<vmem>>
        %dma_start3A_438 = arith.constant 0 : i32
        %dma_start3A_439 = arith.constant 0 : i32
        %dma_start3A_440 = tpu.memref_slice %dma_start3A_437[%run_scoped3A_327, %dma_start3A_438, %dma_start3A_439] : memref<4x2x128xi32, #tpu.memory_space<vmem>> -> memref<1x2x128xi32, #tpu.memory_space<vmem>>
        %dma_start3A_441 = tpu.memref_squeeze %dma_start3A_440 : memref<1x2x128xi32, #tpu.memory_space<vmem>> -> memref<2x128xi32, #tpu.memory_space<vmem>>
        %dma_start3A_442 = arith.constant 0 : i32
        %dma_start3A_443 = tpu.memref_slice %dma_start3A_441[%run_scoped3A_328, %dma_start3A_442] : memref<2x128xi32, #tpu.memory_space<vmem>> -> memref<1x128xi32, #tpu.memory_space<vmem>>
        %dma_start3A_444 = tpu.memref_squeeze %dma_start3A_443 : memref<1x128xi32, #tpu.memory_space<vmem>> -> memref<128xi32, #tpu.memory_space<vmem>>
        %dma_start3A_445 = arith.constant 0 : i32
        %dma_start3A_446 = arith.constant 0 : i32
        %dma_start3A_447 = tpu.memref_slice %arg2[%dma_start3A_445, %dma_start3A_446] : memref<10000x128xf32, #tpu.memory_space<hbm>> -> memref<10000x128xf32, #tpu.memory_space<hbm>>
        tpu.enqueue_indirect_dma source(%dma_start3A_447 : memref<10000x128xf32, #tpu.memory_space<hbm>>) target(%dma_start3A_432 : memref<128x128xf32, #tpu.memory_space<vmem>>) offsets(%dma_start3A_444 : memref<128xi32, #tpu.memory_space<vmem>>) semaphore(%run_scoped3A_428 : memref<!tpu.dma_semaphore, #tpu.memory_space<semaphore_mem>>)
        %dma_wait3A_448 = arith.constant 0 : i32
        %dma_wait3A_449 = arith.constant 0 : i32
        %dma_wait3A_450 = tpu.memref_slice %arg7[%run_scoped3A_329, %dma_wait3A_448, %dma_wait3A_449] : memref<2x128x128xf32, #tpu.memory_space<vmem>> -> memref<1x128x128xf32, #tpu.memory_space<vmem>>
        %dma_wait3A_451 = tpu.memref_squeeze %dma_wait3A_450 : memref<1x128x128xf32, #tpu.memory_space<vmem>> -> memref<128x128xf32, #tpu.memory_space<vmem>>
        %dma_wait3A_452 = arith.constant 0 : i32
        %dma_wait3A_453 = arith.constant 0 : i32
        %dma_wait3A_454 = arith.constant 0 : i32
        %dma_wait3A_455 = tpu.memref_slice %arg6[%run_scoped3A, %dma_wait3A_452, %dma_wait3A_453, %dma_wait3A_454] : memref<2x4x2x128xi32, #tpu.memory_space<vmem>> -> memref<1x4x2x128xi32, #tpu.memory_space<vmem>>
        %dma_wait3A_456 = tpu.memref_squeeze %dma_wait3A_455 : memref<1x4x2x128xi32, #tpu.memory_space<vmem>> -> memref<4x2x128xi32, #tpu.memory_space<vmem>>
        %dma_wait3A_457 = arith.constant 0 : i32
        %dma_wait3A_458 = arith.constant 0 : i32
        %dma_wait3A_459 = tpu.memref_slice %dma_wait3A_456[%run_scoped3A_327, %dma_wait3A_457, %dma_wait3A_458] : memref<4x2x128xi32, #tpu.memory_space<vmem>> -> memref<1x2x128xi32, #tpu.memory_space<vmem>>
        %dma_wait3A_460 = tpu.memref_squeeze %dma_wait3A_459 : memref<1x2x128xi32, #tpu.memory_space<vmem>> -> memref<2x128xi32, #tpu.memory_space<vmem>>
        %dma_wait3A_461 = arith.constant 0 : i32
        %dma_wait3A_462 = tpu.memref_slice %dma_wait3A_460[%run_scoped3A_328, %dma_wait3A_461] : memref<2x128xi32, #tpu.memory_space<vmem>> -> memref<1x128xi32, #tpu.memory_space<vmem>>
        %dma_wait3A_463 = tpu.memref_squeeze %dma_wait3A_462 : memref<1x128xi32, #tpu.memory_space<vmem>> -> memref<128xi32, #tpu.memory_space<vmem>>
        %dma_wait3A_464 = arith.constant 0 : i32
        %dma_wait3A_465 = arith.constant 0 : i32
        %dma_wait3A_466 = tpu.memref_slice %arg2[%dma_wait3A_464, %dma_wait3A_465] : memref<10000x128xf32, #tpu.memory_space<hbm>> -> memref<10000x128xf32, #tpu.memory_space<hbm>>
        tpu.wait_indirect_dma semaphore(%run_scoped3A_428 : memref<!tpu.dma_semaphore, #tpu.memory_space<semaphore_mem>>) src(%dma_wait3A_466 : memref<10000x128xf32, #tpu.memory_space<hbm>>) dst(%dma_wait3A_451 : memref<128x128xf32, #tpu.memory_space<vmem>>)
        tpu.yield
      }) : () -> ()
      %run_scoped3A_330 = arith.constant 0 : i32
      %run_scoped3A_331 = arith.constant 0 : i32
      %run_scoped3A_332 = arith.constant 0 : i32
      %run_scoped3A_333 = arith.constant 1 : i32
      "tpu.region"() ({
        %run_scoped3A_428 = tpu.sem_alloc : memref<!tpu.dma_semaphore, #tpu.memory_space<semaphore_mem>>
        %dma_start3A_429 = arith.constant 0 : i32
        %dma_start3A_430 = arith.constant 0 : i32
        %dma_start3A_431 = tpu.memref_slice %arg7[%run_scoped3A_330, %dma_start3A_429, %dma_start3A_430] : memref<2x128x128xf32, #tpu.memory_space<vmem>> -> memref<1x128x128xf32, #tpu.memory_space<vmem>>
        %dma_start3A_432 = tpu.memref_squeeze %dma_start3A_431 : memref<1x128x128xf32, #tpu.memory_space<vmem>> -> memref<128x128xf32, #tpu.memory_space<vmem>>
        %dma_start3A_433 = arith.constant 0 : i32
        %dma_start3A_434 = arith.constant 0 : i32
        %dma_start3A_435 = arith.constant 0 : i32
        %dma_start3A_436 = tpu.memref_slice %arg6[%run_scoped3A_331, %dma_start3A_433, %dma_start3A_434, %dma_start3A_435] : memref<2x4x2x128xi32, #tpu.memory_space<vmem>> -> memref<1x4x2x128xi32, #tpu.memory_space<vmem>>
        %dma_start3A_437 = tpu.memref_squeeze %dma_start3A_436 : memref<1x4x2x128xi32, #tpu.memory_space<vmem>> -> memref<4x2x128xi32, #tpu.memory_space<vmem>>
        %dma_start3A_438 = arith.constant 0 : i32
        %dma_start3A_439 = arith.constant 0 : i32
        %dma_start3A_440 = tpu.memref_slice %dma_start3A_437[%run_scoped3A_332, %dma_start3A_438, %dma_start3A_439] : memref<4x2x128xi32, #tpu.memory_space<vmem>> -> memref<1x2x128xi32, #tpu.memory_space<vmem>>
        %dma_start3A_441 = tpu.memref_squeeze %dma_start3A_440 : memref<1x2x128xi32, #tpu.memory_space<vmem>> -> memref<2x128xi32, #tpu.memory_space<vmem>>
        %dma_start3A_442 = arith.constant 0 : i32
        %dma_start3A_443 = tpu.memref_slice %dma_start3A_441[%run_scoped3A_333, %dma_start3A_442] : memref<2x128xi32, #tpu.memory_space<vmem>> -> memref<1x128xi32, #tpu.memory_space<vmem>>
        %dma_start3A_444 = tpu.memref_squeeze %dma_start3A_443 : memref<1x128xi32, #tpu.memory_space<vmem>> -> memref<128xi32, #tpu.memory_space<vmem>>
        %dma_start3A_445 = arith.constant 0 : i32
        %dma_start3A_446 = arith.constant 0 : i32
        %dma_start3A_447 = tpu.memref_slice %arg5[%dma_start3A_445, %dma_start3A_446] : memref<10008x128xf32, #tpu.memory_space<vmem_shared>> -> memref<10008x128xf32, #tpu.memory_space<vmem_shared>>
        tpu.enqueue_indirect_dma source(%dma_start3A_432 : memref<128x128xf32, #tpu.memory_space<vmem>>) target(%dma_start3A_447 : memref<10008x128xf32, #tpu.memory_space<vmem_shared>>) offsets(%dma_start3A_444 : memref<128xi32, #tpu.memory_space<vmem>>) semaphore(%run_scoped3A_428 : memref<!tpu.dma_semaphore, #tpu.memory_space<semaphore_mem>>) {add = true}
        %dma_wait3A_448 = arith.constant 0 : i32
        %dma_wait3A_449 = arith.constant 0 : i32
        %dma_wait3A_450 = tpu.memref_slice %arg7[%run_scoped3A_330, %dma_wait3A_448, %dma_wait3A_449] : memref<2x128x128xf32, #tpu.memory_space<vmem>> -> memref<1x128x128xf32, #tpu.memory_space<vmem>>
        %dma_wait3A_451 = tpu.memref_squeeze %dma_wait3A_450 : memref<1x128x128xf32, #tpu.memory_space<vmem>> -> memref<128x128xf32, #tpu.memory_space<vmem>>
        %dma_wait3A_452 = arith.constant 0 : i32
        %dma_wait3A_453 = arith.constant 0 : i32
        %dma_wait3A_454 = arith.constant 0 : i32
        %dma_wait3A_455 = tpu.memref_slice %arg6[%run_scoped3A_331, %dma_wait3A_452, %dma_wait3A_453, %dma_wait3A_454] : memref<2x4x2x128xi32, #tpu.memory_space<vmem>> -> memref<1x4x2x128xi32, #tpu.memory_space<vmem>>
        %dma_wait3A_456 = tpu.memref_squeeze %dma_wait3A_455 : memref<1x4x2x128xi32, #tpu.memory_space<vmem>> -> memref<4x2x128xi32, #tpu.memory_space<vmem>>
        %dma_wait3A_457 = arith.constant 0 : i32
        %dma_wait3A_458 = arith.constant 0 : i32
        %dma_wait3A_459 = tpu.memref_slice %dma_wait3A_456[%run_scoped3A_332, %dma_wait3A_457, %dma_wait3A_458] : memref<4x2x128xi32, #tpu.memory_space<vmem>> -> memref<1x2x128xi32, #tpu.memory_space<vmem>>
        %dma_wait3A_460 = tpu.memref_squeeze %dma_wait3A_459 : memref<1x2x128xi32, #tpu.memory_space<vmem>> -> memref<2x128xi32, #tpu.memory_space<vmem>>
        %dma_wait3A_461 = arith.constant 0 : i32
        %dma_wait3A_462 = tpu.memref_slice %dma_wait3A_460[%run_scoped3A_333, %dma_wait3A_461] : memref<2x128xi32, #tpu.memory_space<vmem>> -> memref<1x128xi32, #tpu.memory_space<vmem>>
        %dma_wait3A_463 = tpu.memref_squeeze %dma_wait3A_462 : memref<1x128xi32, #tpu.memory_space<vmem>> -> memref<128xi32, #tpu.memory_space<vmem>>
        %dma_wait3A_464 = arith.constant 0 : i32
        %dma_wait3A_465 = arith.constant 0 : i32
        %dma_wait3A_466 = tpu.memref_slice %arg5[%dma_wait3A_464, %dma_wait3A_465] : memref<10008x128xf32, #tpu.memory_space<vmem_shared>> -> memref<10008x128xf32, #tpu.memory_space<vmem_shared>>
        tpu.wait_indirect_dma semaphore(%run_scoped3A_428 : memref<!tpu.dma_semaphore, #tpu.memory_space<semaphore_mem>>) src(%dma_wait3A_451 : memref<128x128xf32, #tpu.memory_space<vmem>>) dst(%dma_wait3A_466 : memref<10008x128xf32, #tpu.memory_space<vmem_shared>>)
        tpu.yield
      }) : () -> ()
      %run_scoped3A_334 = arith.constant 0 : i32
      %run_scoped3A_335 = arith.constant 1 : i32
      %run_scoped3A_336 = arith.constant 0 : i32
      %run_scoped3A_337 = arith.constant 0 : i32
      "tpu.region"() ({
        %run_scoped3A_428 = tpu.sem_alloc : memref<!tpu.dma_semaphore, #tpu.memory_space<semaphore_mem>>
        %dma_start3A_429 = arith.constant 0 : i32
        %dma_start3A_430 = arith.constant 0 : i32
        %dma_start3A_431 = tpu.memref_slice %arg7[%run_scoped3A_337, %dma_start3A_429, %dma_start3A_430] : memref<2x128x128xf32, #tpu.memory_space<vmem>> -> memref<1x128x128xf32, #tpu.memory_space<vmem>>
        %dma_start3A_432 = tpu.memref_squeeze %dma_start3A_431 : memref<1x128x128xf32, #tpu.memory_space<vmem>> -> memref<128x128xf32, #tpu.memory_space<vmem>>
        %dma_start3A_433 = arith.constant 0 : i32
        %dma_start3A_434 = arith.constant 0 : i32
        %dma_start3A_435 = arith.constant 0 : i32
        %dma_start3A_436 = tpu.memref_slice %arg6[%run_scoped3A_334, %dma_start3A_433, %dma_start3A_434, %dma_start3A_435] : memref<2x4x2x128xi32, #tpu.memory_space<vmem>> -> memref<1x4x2x128xi32, #tpu.memory_space<vmem>>
        %dma_start3A_437 = tpu.memref_squeeze %dma_start3A_436 : memref<1x4x2x128xi32, #tpu.memory_space<vmem>> -> memref<4x2x128xi32, #tpu.memory_space<vmem>>
        %dma_start3A_438 = arith.constant 0 : i32
        %dma_start3A_439 = arith.constant 0 : i32
        %dma_start3A_440 = tpu.memref_slice %dma_start3A_437[%run_scoped3A_335, %dma_start3A_438, %dma_start3A_439] : memref<4x2x128xi32, #tpu.memory_space<vmem>> -> memref<1x2x128xi32, #tpu.memory_space<vmem>>
        %dma_start3A_441 = tpu.memref_squeeze %dma_start3A_440 : memref<1x2x128xi32, #tpu.memory_space<vmem>> -> memref<2x128xi32, #tpu.memory_space<vmem>>
        %dma_start3A_442 = arith.constant 0 : i32
        %dma_start3A_443 = tpu.memref_slice %dma_start3A_441[%run_scoped3A_336, %dma_start3A_442] : memref<2x128xi32, #tpu.memory_space<vmem>> -> memref<1x128xi32, #tpu.memory_space<vmem>>
        %dma_start3A_444 = tpu.memref_squeeze %dma_start3A_443 : memref<1x128xi32, #tpu.memory_space<vmem>> -> memref<128xi32, #tpu.memory_space<vmem>>
        %dma_start3A_445 = arith.constant 0 : i32
        %dma_start3A_446 = arith.constant 0 : i32
        %dma_start3A_447 = tpu.memref_slice %arg2[%dma_start3A_445, %dma_start3A_446] : memref<10000x128xf32, #tpu.memory_space<hbm>> -> memref<10000x128xf32, #tpu.memory_space<hbm>>
        tpu.enqueue_indirect_dma source(%dma_start3A_447 : memref<10000x128xf32, #tpu.memory_space<hbm>>) target(%dma_start3A_432 : memref<128x128xf32, #tpu.memory_space<vmem>>) offsets(%dma_start3A_444 : memref<128xi32, #tpu.memory_space<vmem>>) semaphore(%run_scoped3A_428 : memref<!tpu.dma_semaphore, #tpu.memory_space<semaphore_mem>>)
        %dma_wait3A_448 = arith.constant 0 : i32
        %dma_wait3A_449 = arith.constant 0 : i32
        %dma_wait3A_450 = tpu.memref_slice %arg7[%run_scoped3A_337, %dma_wait3A_448, %dma_wait3A_449] : memref<2x128x128xf32, #tpu.memory_space<vmem>> -> memref<1x128x128xf32, #tpu.memory_space<vmem>>
        %dma_wait3A_451 = tpu.memref_squeeze %dma_wait3A_450 : memref<1x128x128xf32, #tpu.memory_space<vmem>> -> memref<128x128xf32, #tpu.memory_space<vmem>>
        %dma_wait3A_452 = arith.constant 0 : i32
        %dma_wait3A_453 = arith.constant 0 : i32
        %dma_wait3A_454 = arith.constant 0 : i32
        %dma_wait3A_455 = tpu.memref_slice %arg6[%run_scoped3A_334, %dma_wait3A_452, %dma_wait3A_453, %dma_wait3A_454] : memref<2x4x2x128xi32, #tpu.memory_space<vmem>> -> memref<1x4x2x128xi32, #tpu.memory_space<vmem>>
        %dma_wait3A_456 = tpu.memref_squeeze %dma_wait3A_455 : memref<1x4x2x128xi32, #tpu.memory_space<vmem>> -> memref<4x2x128xi32, #tpu.memory_space<vmem>>
        %dma_wait3A_457 = arith.constant 0 : i32
        %dma_wait3A_458 = arith.constant 0 : i32
        %dma_wait3A_459 = tpu.memref_slice %dma_wait3A_456[%run_scoped3A_335, %dma_wait3A_457, %dma_wait3A_458] : memref<4x2x128xi32, #tpu.memory_space<vmem>> -> memref<1x2x128xi32, #tpu.memory_space<vmem>>
        %dma_wait3A_460 = tpu.memref_squeeze %dma_wait3A_459 : memref<1x2x128xi32, #tpu.memory_space<vmem>> -> memref<2x128xi32, #tpu.memory_space<vmem>>
        %dma_wait3A_461 = arith.constant 0 : i32
        %dma_wait3A_462 = tpu.memref_slice %dma_wait3A_460[%run_scoped3A_336, %dma_wait3A_461] : memref<2x128xi32, #tpu.memory_space<vmem>> -> memref<1x128xi32, #tpu.memory_space<vmem>>
        %dma_wait3A_463 = tpu.memref_squeeze %dma_wait3A_462 : memref<1x128xi32, #tpu.memory_space<vmem>> -> memref<128xi32, #tpu.memory_space<vmem>>
        %dma_wait3A_464 = arith.constant 0 : i32
        %dma_wait3A_465 = arith.constant 0 : i32
        %dma_wait3A_466 = tpu.memref_slice %arg2[%dma_wait3A_464, %dma_wait3A_465] : memref<10000x128xf32, #tpu.memory_space<hbm>> -> memref<10000x128xf32, #tpu.memory_space<hbm>>
        tpu.wait_indirect_dma semaphore(%run_scoped3A_428 : memref<!tpu.dma_semaphore, #tpu.memory_space<semaphore_mem>>) src(%dma_wait3A_466 : memref<10000x128xf32, #tpu.memory_space<hbm>>) dst(%dma_wait3A_451 : memref<128x128xf32, #tpu.memory_space<vmem>>)
        tpu.yield
      }) : () -> ()
      %run_scoped3A_338 = arith.constant 0 : i32
      %run_scoped3A_339 = arith.constant 0 : i32
      %run_scoped3A_340 = arith.constant 1 : i32
      %run_scoped3A_341 = arith.constant 1 : i32
      "tpu.region"() ({
        %run_scoped3A_428 = tpu.sem_alloc : memref<!tpu.dma_semaphore, #tpu.memory_space<semaphore_mem>>
        %dma_start3A_429 = arith.constant 0 : i32
        %dma_start3A_430 = arith.constant 0 : i32
        %dma_start3A_431 = tpu.memref_slice %arg7[%run_scoped3A_338, %dma_start3A_429, %dma_start3A_430] : memref<2x128x128xf32, #tpu.memory_space<vmem>> -> memref<1x128x128xf32, #tpu.memory_space<vmem>>
        %dma_start3A_432 = tpu.memref_squeeze %dma_start3A_431 : memref<1x128x128xf32, #tpu.memory_space<vmem>> -> memref<128x128xf32, #tpu.memory_space<vmem>>
        %dma_start3A_433 = arith.constant 0 : i32
        %dma_start3A_434 = arith.constant 0 : i32
        %dma_start3A_435 = arith.constant 0 : i32
        %dma_start3A_436 = tpu.memref_slice %arg6[%run_scoped3A_339, %dma_start3A_433, %dma_start3A_434, %dma_start3A_435] : memref<2x4x2x128xi32, #tpu.memory_space<vmem>> -> memref<1x4x2x128xi32, #tpu.memory_space<vmem>>
        %dma_start3A_437 = tpu.memref_squeeze %dma_start3A_436 : memref<1x4x2x128xi32, #tpu.memory_space<vmem>> -> memref<4x2x128xi32, #tpu.memory_space<vmem>>
        %dma_start3A_438 = arith.constant 0 : i32
        %dma_start3A_439 = arith.constant 0 : i32
        %dma_start3A_440 = tpu.memref_slice %dma_start3A_437[%run_scoped3A_340, %dma_start3A_438, %dma_start3A_439] : memref<4x2x128xi32, #tpu.memory_space<vmem>> -> memref<1x2x128xi32, #tpu.memory_space<vmem>>
        %dma_start3A_441 = tpu.memref_squeeze %dma_start3A_440 : memref<1x2x128xi32, #tpu.memory_space<vmem>> -> memref<2x128xi32, #tpu.memory_space<vmem>>
        %dma_start3A_442 = arith.constant 0 : i32
        %dma_start3A_443 = tpu.memref_slice %dma_start3A_441[%run_scoped3A_341, %dma_start3A_442] : memref<2x128xi32, #tpu.memory_space<vmem>> -> memref<1x128xi32, #tpu.memory_space<vmem>>
        %dma_start3A_444 = tpu.memref_squeeze %dma_start3A_443 : memref<1x128xi32, #tpu.memory_space<vmem>> -> memref<128xi32, #tpu.memory_space<vmem>>
        %dma_start3A_445 = arith.constant 0 : i32
        %dma_start3A_446 = arith.constant 0 : i32
        %dma_start3A_447 = tpu.memref_slice %arg5[%dma_start3A_445, %dma_start3A_446] : memref<10008x128xf32, #tpu.memory_space<vmem_shared>> -> memref<10008x128xf32, #tpu.memory_space<vmem_shared>>
        tpu.enqueue_indirect_dma source(%dma_start3A_432 : memref<128x128xf32, #tpu.memory_space<vmem>>) target(%dma_start3A_447 : memref<10008x128xf32, #tpu.memory_space<vmem_shared>>) offsets(%dma_start3A_444 : memref<128xi32, #tpu.memory_space<vmem>>) semaphore(%run_scoped3A_428 : memref<!tpu.dma_semaphore, #tpu.memory_space<semaphore_mem>>) {add = true}
        %dma_wait3A_448 = arith.constant 0 : i32
        %dma_wait3A_449 = arith.constant 0 : i32
        %dma_wait3A_450 = tpu.memref_slice %arg7[%run_scoped3A_338, %dma_wait3A_448, %dma_wait3A_449] : memref<2x128x128xf32, #tpu.memory_space<vmem>> -> memref<1x128x128xf32, #tpu.memory_space<vmem>>
        %dma_wait3A_451 = tpu.memref_squeeze %dma_wait3A_450 : memref<1x128x128xf32, #tpu.memory_space<vmem>> -> memref<128x128xf32, #tpu.memory_space<vmem>>
        %dma_wait3A_452 = arith.constant 0 : i32
        %dma_wait3A_453 = arith.constant 0 : i32
        %dma_wait3A_454 = arith.constant 0 : i32
        %dma_wait3A_455 = tpu.memref_slice %arg6[%run_scoped3A_339, %dma_wait3A_452, %dma_wait3A_453, %dma_wait3A_454] : memref<2x4x2x128xi32, #tpu.memory_space<vmem>> -> memref<1x4x2x128xi32, #tpu.memory_space<vmem>>
        %dma_wait3A_456 = tpu.memref_squeeze %dma_wait3A_455 : memref<1x4x2x128xi32, #tpu.memory_space<vmem>> -> memref<4x2x128xi32, #tpu.memory_space<vmem>>
        %dma_wait3A_457 = arith.constant 0 : i32
        %dma_wait3A_458 = arith.constant 0 : i32
        %dma_wait3A_459 = tpu.memref_slice %dma_wait3A_456[%run_scoped3A_340, %dma_wait3A_457, %dma_wait3A_458] : memref<4x2x128xi32, #tpu.memory_space<vmem>> -> memref<1x2x128xi32, #tpu.memory_space<vmem>>
        %dma_wait3A_460 = tpu.memref_squeeze %dma_wait3A_459 : memref<1x2x128xi32, #tpu.memory_space<vmem>> -> memref<2x128xi32, #tpu.memory_space<vmem>>
        %dma_wait3A_461 = arith.constant 0 : i32
        %dma_wait3A_462 = tpu.memref_slice %dma_wait3A_460[%run_scoped3A_341, %dma_wait3A_461] : memref<2x128xi32, #tpu.memory_space<vmem>> -> memref<1x128xi32, #tpu.memory_space<vmem>>
        %dma_wait3A_463 = tpu.memref_squeeze %dma_wait3A_462 : memref<1x128xi32, #tpu.memory_space<vmem>> -> memref<128xi32, #tpu.memory_space<vmem>>
        %dma_wait3A_464 = arith.constant 0 : i32
        %dma_wait3A_465 = arith.constant 0 : i32
        %dma_wait3A_466 = tpu.memref_slice %arg5[%dma_wait3A_464, %dma_wait3A_465] : memref<10008x128xf32, #tpu.memory_space<vmem_shared>> -> memref<10008x128xf32, #tpu.memory_space<vmem_shared>>
        tpu.wait_indirect_dma semaphore(%run_scoped3A_428 : memref<!tpu.dma_semaphore, #tpu.memory_space<semaphore_mem>>) src(%dma_wait3A_451 : memref<128x128xf32, #tpu.memory_space<vmem>>) dst(%dma_wait3A_466 : memref<10008x128xf32, #tpu.memory_space<vmem_shared>>)
        tpu.yield
      }) : () -> ()
      %run_scoped3A_342 = arith.constant 0 : i32
      %run_scoped3A_343 = arith.constant 2 : i32
      %run_scoped3A_344 = arith.constant 0 : i32
      %run_scoped3A_345 = arith.constant 0 : i32
      "tpu.region"() ({
        %run_scoped3A_428 = tpu.sem_alloc : memref<!tpu.dma_semaphore, #tpu.memory_space<semaphore_mem>>
        %dma_start3A_429 = arith.constant 0 : i32
        %dma_start3A_430 = arith.constant 0 : i32
        %dma_start3A_431 = tpu.memref_slice %arg7[%run_scoped3A_345, %dma_start3A_429, %dma_start3A_430] : memref<2x128x128xf32, #tpu.memory_space<vmem>> -> memref<1x128x128xf32, #tpu.memory_space<vmem>>
        %dma_start3A_432 = tpu.memref_squeeze %dma_start3A_431 : memref<1x128x128xf32, #tpu.memory_space<vmem>> -> memref<128x128xf32, #tpu.memory_space<vmem>>
        %dma_start3A_433 = arith.constant 0 : i32
        %dma_start3A_434 = arith.constant 0 : i32
        %dma_start3A_435 = arith.constant 0 : i32
        %dma_start3A_436 = tpu.memref_slice %arg6[%run_scoped3A_342, %dma_start3A_433, %dma_start3A_434, %dma_start3A_435] : memref<2x4x2x128xi32, #tpu.memory_space<vmem>> -> memref<1x4x2x128xi32, #tpu.memory_space<vmem>>
        %dma_start3A_437 = tpu.memref_squeeze %dma_start3A_436 : memref<1x4x2x128xi32, #tpu.memory_space<vmem>> -> memref<4x2x128xi32, #tpu.memory_space<vmem>>
        %dma_start3A_438 = arith.constant 0 : i32
        %dma_start3A_439 = arith.constant 0 : i32
        %dma_start3A_440 = tpu.memref_slice %dma_start3A_437[%run_scoped3A_343, %dma_start3A_438, %dma_start3A_439] : memref<4x2x128xi32, #tpu.memory_space<vmem>> -> memref<1x2x128xi32, #tpu.memory_space<vmem>>
        %dma_start3A_441 = tpu.memref_squeeze %dma_start3A_440 : memref<1x2x128xi32, #tpu.memory_space<vmem>> -> memref<2x128xi32, #tpu.memory_space<vmem>>
        %dma_start3A_442 = arith.constant 0 : i32
        %dma_start3A_443 = tpu.memref_slice %dma_start3A_441[%run_scoped3A_344, %dma_start3A_442] : memref<2x128xi32, #tpu.memory_space<vmem>> -> memref<1x128xi32, #tpu.memory_space<vmem>>
        %dma_start3A_444 = tpu.memref_squeeze %dma_start3A_443 : memref<1x128xi32, #tpu.memory_space<vmem>> -> memref<128xi32, #tpu.memory_space<vmem>>
        %dma_start3A_445 = arith.constant 0 : i32
        %dma_start3A_446 = arith.constant 0 : i32
        %dma_start3A_447 = tpu.memref_slice %arg2[%dma_start3A_445, %dma_start3A_446] : memref<10000x128xf32, #tpu.memory_space<hbm>> -> memref<10000x128xf32, #tpu.memory_space<hbm>>
        tpu.enqueue_indirect_dma source(%dma_start3A_447 : memref<10000x128xf32, #tpu.memory_space<hbm>>) target(%dma_start3A_432 : memref<128x128xf32, #tpu.memory_space<vmem>>) offsets(%dma_start3A_444 : memref<128xi32, #tpu.memory_space<vmem>>) semaphore(%run_scoped3A_428 : memref<!tpu.dma_semaphore, #tpu.memory_space<semaphore_mem>>)
        %dma_wait3A_448 = arith.constant 0 : i32
        %dma_wait3A_449 = arith.constant 0 : i32
        %dma_wait3A_450 = tpu.memref_slice %arg7[%run_scoped3A_345, %dma_wait3A_448, %dma_wait3A_449] : memref<2x128x128xf32, #tpu.memory_space<vmem>> -> memref<1x128x128xf32, #tpu.memory_space<vmem>>
        %dma_wait3A_451 = tpu.memref_squeeze %dma_wait3A_450 : memref<1x128x128xf32, #tpu.memory_space<vmem>> -> memref<128x128xf32, #tpu.memory_space<vmem>>
        %dma_wait3A_452 = arith.constant 0 : i32
        %dma_wait3A_453 = arith.constant 0 : i32
        %dma_wait3A_454 = arith.constant 0 : i32
        %dma_wait3A_455 = tpu.memref_slice %arg6[%run_scoped3A_342, %dma_wait3A_452, %dma_wait3A_453, %dma_wait3A_454] : memref<2x4x2x128xi32, #tpu.memory_space<vmem>> -> memref<1x4x2x128xi32, #tpu.memory_space<vmem>>
        %dma_wait3A_456 = tpu.memref_squeeze %dma_wait3A_455 : memref<1x4x2x128xi32, #tpu.memory_space<vmem>> -> memref<4x2x128xi32, #tpu.memory_space<vmem>>
        %dma_wait3A_457 = arith.constant 0 : i32
        %dma_wait3A_458 = arith.constant 0 : i32
        %dma_wait3A_459 = tpu.memref_slice %dma_wait3A_456[%run_scoped3A_343, %dma_wait3A_457, %dma_wait3A_458] : memref<4x2x128xi32, #tpu.memory_space<vmem>> -> memref<1x2x128xi32, #tpu.memory_space<vmem>>
        %dma_wait3A_460 = tpu.memref_squeeze %dma_wait3A_459 : memref<1x2x128xi32, #tpu.memory_space<vmem>> -> memref<2x128xi32, #tpu.memory_space<vmem>>
        %dma_wait3A_461 = arith.constant 0 : i32
        %dma_wait3A_462 = tpu.memref_slice %dma_wait3A_460[%run_scoped3A_344, %dma_wait3A_461] : memref<2x128xi32, #tpu.memory_space<vmem>> -> memref<1x128xi32, #tpu.memory_space<vmem>>
        %dma_wait3A_463 = tpu.memref_squeeze %dma_wait3A_462 : memref<1x128xi32, #tpu.memory_space<vmem>> -> memref<128xi32, #tpu.memory_space<vmem>>
        %dma_wait3A_464 = arith.constant 0 : i32
        %dma_wait3A_465 = arith.constant 0 : i32
        %dma_wait3A_466 = tpu.memref_slice %arg2[%dma_wait3A_464, %dma_wait3A_465] : memref<10000x128xf32, #tpu.memory_space<hbm>> -> memref<10000x128xf32, #tpu.memory_space<hbm>>
        tpu.wait_indirect_dma semaphore(%run_scoped3A_428 : memref<!tpu.dma_semaphore, #tpu.memory_space<semaphore_mem>>) src(%dma_wait3A_466 : memref<10000x128xf32, #tpu.memory_space<hbm>>) dst(%dma_wait3A_451 : memref<128x128xf32, #tpu.memory_space<vmem>>)
        tpu.yield
      }) : () -> ()
      %run_scoped3A_346 = arith.constant 0 : i32
      %run_scoped3A_347 = arith.constant 0 : i32
      %run_scoped3A_348 = arith.constant 2 : i32
      %run_scoped3A_349 = arith.constant 1 : i32
      "tpu.region"() ({
        %run_scoped3A_428 = tpu.sem_alloc : memref<!tpu.dma_semaphore, #tpu.memory_space<semaphore_mem>>
        %dma_start3A_429 = arith.constant 0 : i32
        %dma_start3A_430 = arith.constant 0 : i32
        %dma_start3A_431 = tpu.memref_slice %arg7[%run_scoped3A_346, %dma_start3A_429, %dma_start3A_430] : memref<2x128x128xf32, #tpu.memory_space<vmem>> -> memref<1x128x128xf32, #tpu.memory_space<vmem>>
        %dma_start3A_432 = tpu.memref_squeeze %dma_start3A_431 : memref<1x128x128xf32, #tpu.memory_space<vmem>> -> memref<128x128xf32, #tpu.memory_space<vmem>>
        %dma_start3A_433 = arith.constant 0 : i32
        %dma_start3A_434 = arith.constant 0 : i32
        %dma_start3A_435 = arith.constant 0 : i32
        %dma_start3A_436 = tpu.memref_slice %arg6[%run_scoped3A_347, %dma_start3A_433, %dma_start3A_434, %dma_start3A_435] : memref<2x4x2x128xi32, #tpu.memory_space<vmem>> -> memref<1x4x2x128xi32, #tpu.memory_space<vmem>>
        %dma_start3A_437 = tpu.memref_squeeze %dma_start3A_436 : memref<1x4x2x128xi32, #tpu.memory_space<vmem>> -> memref<4x2x128xi32, #tpu.memory_space<vmem>>
        %dma_start3A_438 = arith.constant 0 : i32
        %dma_start3A_439 = arith.constant 0 : i32
        %dma_start3A_440 = tpu.memref_slice %dma_start3A_437[%run_scoped3A_348, %dma_start3A_438, %dma_start3A_439] : memref<4x2x128xi32, #tpu.memory_space<vmem>> -> memref<1x2x128xi32, #tpu.memory_space<vmem>>
        %dma_start3A_441 = tpu.memref_squeeze %dma_start3A_440 : memref<1x2x128xi32, #tpu.memory_space<vmem>> -> memref<2x128xi32, #tpu.memory_space<vmem>>
        %dma_start3A_442 = arith.constant 0 : i32
        %dma_start3A_443 = tpu.memref_slice %dma_start3A_441[%run_scoped3A_349, %dma_start3A_442] : memref<2x128xi32, #tpu.memory_space<vmem>> -> memref<1x128xi32, #tpu.memory_space<vmem>>
        %dma_start3A_444 = tpu.memref_squeeze %dma_start3A_443 : memref<1x128xi32, #tpu.memory_space<vmem>> -> memref<128xi32, #tpu.memory_space<vmem>>
        %dma_start3A_445 = arith.constant 0 : i32
        %dma_start3A_446 = arith.constant 0 : i32
        %dma_start3A_447 = tpu.memref_slice %arg5[%dma_start3A_445, %dma_start3A_446] : memref<10008x128xf32, #tpu.memory_space<vmem_shared>> -> memref<10008x128xf32, #tpu.memory_space<vmem_shared>>
        tpu.enqueue_indirect_dma source(%dma_start3A_432 : memref<128x128xf32, #tpu.memory_space<vmem>>) target(%dma_start3A_447 : memref<10008x128xf32, #tpu.memory_space<vmem_shared>>) offsets(%dma_start3A_444 : memref<128xi32, #tpu.memory_space<vmem>>) semaphore(%run_scoped3A_428 : memref<!tpu.dma_semaphore, #tpu.memory_space<semaphore_mem>>) {add = true}
        %dma_wait3A_448 = arith.constant 0 : i32
        %dma_wait3A_449 = arith.constant 0 : i32
        %dma_wait3A_450 = tpu.memref_slice %arg7[%run_scoped3A_346, %dma_wait3A_448, %dma_wait3A_449] : memref<2x128x128xf32, #tpu.memory_space<vmem>> -> memref<1x128x128xf32, #tpu.memory_space<vmem>>
        %dma_wait3A_451 = tpu.memref_squeeze %dma_wait3A_450 : memref<1x128x128xf32, #tpu.memory_space<vmem>> -> memref<128x128xf32, #tpu.memory_space<vmem>>
        %dma_wait3A_452 = arith.constant 0 : i32
        %dma_wait3A_453 = arith.constant 0 : i32
        %dma_wait3A_454 = arith.constant 0 : i32
        %dma_wait3A_455 = tpu.memref_slice %arg6[%run_scoped3A_347, %dma_wait3A_452, %dma_wait3A_453, %dma_wait3A_454] : memref<2x4x2x128xi32, #tpu.memory_space<vmem>> -> memref<1x4x2x128xi32, #tpu.memory_space<vmem>>
        %dma_wait3A_456 = tpu.memref_squeeze %dma_wait3A_455 : memref<1x4x2x128xi32, #tpu.memory_space<vmem>> -> memref<4x2x128xi32, #tpu.memory_space<vmem>>
        %dma_wait3A_457 = arith.constant 0 : i32
        %dma_wait3A_458 = arith.constant 0 : i32
        %dma_wait3A_459 = tpu.memref_slice %dma_wait3A_456[%run_scoped3A_348, %dma_wait3A_457, %dma_wait3A_458] : memref<4x2x128xi32, #tpu.memory_space<vmem>> -> memref<1x2x128xi32, #tpu.memory_space<vmem>>
        %dma_wait3A_460 = tpu.memref_squeeze %dma_wait3A_459 : memref<1x2x128xi32, #tpu.memory_space<vmem>> -> memref<2x128xi32, #tpu.memory_space<vmem>>
        %dma_wait3A_461 = arith.constant 0 : i32
        %dma_wait3A_462 = tpu.memref_slice %dma_wait3A_460[%run_scoped3A_349, %dma_wait3A_461] : memref<2x128xi32, #tpu.memory_space<vmem>> -> memref<1x128xi32, #tpu.memory_space<vmem>>
        %dma_wait3A_463 = tpu.memref_squeeze %dma_wait3A_462 : memref<1x128xi32, #tpu.memory_space<vmem>> -> memref<128xi32, #tpu.memory_space<vmem>>
        %dma_wait3A_464 = arith.constant 0 : i32
        %dma_wait3A_465 = arith.constant 0 : i32
        %dma_wait3A_466 = tpu.memref_slice %arg5[%dma_wait3A_464, %dma_wait3A_465] : memref<10008x128xf32, #tpu.memory_space<vmem_shared>> -> memref<10008x128xf32, #tpu.memory_space<vmem_shared>>
        tpu.wait_indirect_dma semaphore(%run_scoped3A_428 : memref<!tpu.dma_semaphore, #tpu.memory_space<semaphore_mem>>) src(%dma_wait3A_451 : memref<128x128xf32, #tpu.memory_space<vmem>>) dst(%dma_wait3A_466 : memref<10008x128xf32, #tpu.memory_space<vmem_shared>>)
        tpu.yield
      }) : () -> ()
      %run_scoped3A_350 = arith.constant 0 : i32
      %run_scoped3A_351 = arith.constant 3 : i32
      %run_scoped3A_352 = arith.constant 0 : i32
      %run_scoped3A_353 = arith.constant 0 : i32
      "tpu.region"() ({
        %run_scoped3A_428 = tpu.sem_alloc : memref<!tpu.dma_semaphore, #tpu.memory_space<semaphore_mem>>
        %dma_start3A_429 = arith.constant 0 : i32
        %dma_start3A_430 = arith.constant 0 : i32
        %dma_start3A_431 = tpu.memref_slice %arg7[%run_scoped3A_353, %dma_start3A_429, %dma_start3A_430] : memref<2x128x128xf32, #tpu.memory_space<vmem>> -> memref<1x128x128xf32, #tpu.memory_space<vmem>>
        %dma_start3A_432 = tpu.memref_squeeze %dma_start3A_431 : memref<1x128x128xf32, #tpu.memory_space<vmem>> -> memref<128x128xf32, #tpu.memory_space<vmem>>
        %dma_start3A_433 = arith.constant 0 : i32
        %dma_start3A_434 = arith.constant 0 : i32
        %dma_start3A_435 = arith.constant 0 : i32
        %dma_start3A_436 = tpu.memref_slice %arg6[%run_scoped3A_350, %dma_start3A_433, %dma_start3A_434, %dma_start3A_435] : memref<2x4x2x128xi32, #tpu.memory_space<vmem>> -> memref<1x4x2x128xi32, #tpu.memory_space<vmem>>
        %dma_start3A_437 = tpu.memref_squeeze %dma_start3A_436 : memref<1x4x2x128xi32, #tpu.memory_space<vmem>> -> memref<4x2x128xi32, #tpu.memory_space<vmem>>
        %dma_start3A_438 = arith.constant 0 : i32
        %dma_start3A_439 = arith.constant 0 : i32
        %dma_start3A_440 = tpu.memref_slice %dma_start3A_437[%run_scoped3A_351, %dma_start3A_438, %dma_start3A_439] : memref<4x2x128xi32, #tpu.memory_space<vmem>> -> memref<1x2x128xi32, #tpu.memory_space<vmem>>
        %dma_start3A_441 = tpu.memref_squeeze %dma_start3A_440 : memref<1x2x128xi32, #tpu.memory_space<vmem>> -> memref<2x128xi32, #tpu.memory_space<vmem>>
        %dma_start3A_442 = arith.constant 0 : i32
        %dma_start3A_443 = tpu.memref_slice %dma_start3A_441[%run_scoped3A_352, %dma_start3A_442] : memref<2x128xi32, #tpu.memory_space<vmem>> -> memref<1x128xi32, #tpu.memory_space<vmem>>
        %dma_start3A_444 = tpu.memref_squeeze %dma_start3A_443 : memref<1x128xi32, #tpu.memory_space<vmem>> -> memref<128xi32, #tpu.memory_space<vmem>>
        %dma_start3A_445 = arith.constant 0 : i32
        %dma_start3A_446 = arith.constant 0 : i32
        %dma_start3A_447 = tpu.memref_slice %arg2[%dma_start3A_445, %dma_start3A_446] : memref<10000x128xf32, #tpu.memory_space<hbm>> -> memref<10000x128xf32, #tpu.memory_space<hbm>>
        tpu.enqueue_indirect_dma source(%dma_start3A_447 : memref<10000x128xf32, #tpu.memory_space<hbm>>) target(%dma_start3A_432 : memref<128x128xf32, #tpu.memory_space<vmem>>) offsets(%dma_start3A_444 : memref<128xi32, #tpu.memory_space<vmem>>) semaphore(%run_scoped3A_428 : memref<!tpu.dma_semaphore, #tpu.memory_space<semaphore_mem>>)
        %dma_wait3A_448 = arith.constant 0 : i32
        %dma_wait3A_449 = arith.constant 0 : i32
        %dma_wait3A_450 = tpu.memref_slice %arg7[%run_scoped3A_353, %dma_wait3A_448, %dma_wait3A_449] : memref<2x128x128xf32, #tpu.memory_space<vmem>> -> memref<1x128x128xf32, #tpu.memory_space<vmem>>
        %dma_wait3A_451 = tpu.memref_squeeze %dma_wait3A_450 : memref<1x128x128xf32, #tpu.memory_space<vmem>> -> memref<128x128xf32, #tpu.memory_space<vmem>>
        %dma_wait3A_452 = arith.constant 0 : i32
        %dma_wait3A_453 = arith.constant 0 : i32
        %dma_wait3A_454 = arith.constant 0 : i32
        %dma_wait3A_455 = tpu.memref_slice %arg6[%run_scoped3A_350, %dma_wait3A_452, %dma_wait3A_453, %dma_wait3A_454] : memref<2x4x2x128xi32, #tpu.memory_space<vmem>> -> memref<1x4x2x128xi32, #tpu.memory_space<vmem>>
        %dma_wait3A_456 = tpu.memref_squeeze %dma_wait3A_455 : memref<1x4x2x128xi32, #tpu.memory_space<vmem>> -> memref<4x2x128xi32, #tpu.memory_space<vmem>>
        %dma_wait3A_457 = arith.constant 0 : i32
        %dma_wait3A_458 = arith.constant 0 : i32
        %dma_wait3A_459 = tpu.memref_slice %dma_wait3A_456[%run_scoped3A_351, %dma_wait3A_457, %dma_wait3A_458] : memref<4x2x128xi32, #tpu.memory_space<vmem>> -> memref<1x2x128xi32, #tpu.memory_space<vmem>>
        %dma_wait3A_460 = tpu.memref_squeeze %dma_wait3A_459 : memref<1x2x128xi32, #tpu.memory_space<vmem>> -> memref<2x128xi32, #tpu.memory_space<vmem>>
        %dma_wait3A_461 = arith.constant 0 : i32
        %dma_wait3A_462 = tpu.memref_slice %dma_wait3A_460[%run_scoped3A_352, %dma_wait3A_461] : memref<2x128xi32, #tpu.memory_space<vmem>> -> memref<1x128xi32, #tpu.memory_space<vmem>>
        %dma_wait3A_463 = tpu.memref_squeeze %dma_wait3A_462 : memref<1x128xi32, #tpu.memory_space<vmem>> -> memref<128xi32, #tpu.memory_space<vmem>>
        %dma_wait3A_464 = arith.constant 0 : i32
        %dma_wait3A_465 = arith.constant 0 : i32
        %dma_wait3A_466 = tpu.memref_slice %arg2[%dma_wait3A_464, %dma_wait3A_465] : memref<10000x128xf32, #tpu.memory_space<hbm>> -> memref<10000x128xf32, #tpu.memory_space<hbm>>
        tpu.wait_indirect_dma semaphore(%run_scoped3A_428 : memref<!tpu.dma_semaphore, #tpu.memory_space<semaphore_mem>>) src(%dma_wait3A_466 : memref<10000x128xf32, #tpu.memory_space<hbm>>) dst(%dma_wait3A_451 : memref<128x128xf32, #tpu.memory_space<vmem>>)
        tpu.yield
      }) : () -> ()
      %run_scoped3A_354 = arith.constant 0 : i32
      %run_scoped3A_355 = arith.constant 0 : i32
      %run_scoped3A_356 = arith.constant 3 : i32
      %run_scoped3A_357 = arith.constant 1 : i32
      "tpu.region"() ({
        %run_scoped3A_428 = tpu.sem_alloc : memref<!tpu.dma_semaphore, #tpu.memory_space<semaphore_mem>>
        %dma_start3A_429 = arith.constant 0 : i32
        %dma_start3A_430 = arith.constant 0 : i32
        %dma_start3A_431 = tpu.memref_slice %arg7[%run_scoped3A_354, %dma_start3A_429, %dma_start3A_430] : memref<2x128x128xf32, #tpu.memory_space<vmem>> -> memref<1x128x128xf32, #tpu.memory_space<vmem>>
        %dma_start3A_432 = tpu.memref_squeeze %dma_start3A_431 : memref<1x128x128xf32, #tpu.memory_space<vmem>> -> memref<128x128xf32, #tpu.memory_space<vmem>>
        %dma_start3A_433 = arith.constant 0 : i32
        %dma_start3A_434 = arith.constant 0 : i32
        %dma_start3A_435 = arith.constant 0 : i32
        %dma_start3A_436 = tpu.memref_slice %arg6[%run_scoped3A_355, %dma_start3A_433, %dma_start3A_434, %dma_start3A_435] : memref<2x4x2x128xi32, #tpu.memory_space<vmem>> -> memref<1x4x2x128xi32, #tpu.memory_space<vmem>>
        %dma_start3A_437 = tpu.memref_squeeze %dma_start3A_436 : memref<1x4x2x128xi32, #tpu.memory_space<vmem>> -> memref<4x2x128xi32, #tpu.memory_space<vmem>>
        %dma_start3A_438 = arith.constant 0 : i32
        %dma_start3A_439 = arith.constant 0 : i32
        %dma_start3A_440 = tpu.memref_slice %dma_start3A_437[%run_scoped3A_356, %dma_start3A_438, %dma_start3A_439] : memref<4x2x128xi32, #tpu.memory_space<vmem>> -> memref<1x2x128xi32, #tpu.memory_space<vmem>>
        %dma_start3A_441 = tpu.memref_squeeze %dma_start3A_440 : memref<1x2x128xi32, #tpu.memory_space<vmem>> -> memref<2x128xi32, #tpu.memory_space<vmem>>
        %dma_start3A_442 = arith.constant 0 : i32
        %dma_start3A_443 = tpu.memref_slice %dma_start3A_441[%run_scoped3A_357, %dma_start3A_442] : memref<2x128xi32, #tpu.memory_space<vmem>> -> memref<1x128xi32, #tpu.memory_space<vmem>>
        %dma_start3A_444 = tpu.memref_squeeze %dma_start3A_443 : memref<1x128xi32, #tpu.memory_space<vmem>> -> memref<128xi32, #tpu.memory_space<vmem>>
        %dma_start3A_445 = arith.constant 0 : i32
        %dma_start3A_446 = arith.constant 0 : i32
        %dma_start3A_447 = tpu.memref_slice %arg5[%dma_start3A_445, %dma_start3A_446] : memref<10008x128xf32, #tpu.memory_space<vmem_shared>> -> memref<10008x128xf32, #tpu.memory_space<vmem_shared>>
        tpu.enqueue_indirect_dma source(%dma_start3A_432 : memref<128x128xf32, #tpu.memory_space<vmem>>) target(%dma_start3A_447 : memref<10008x128xf32, #tpu.memory_space<vmem_shared>>) offsets(%dma_start3A_444 : memref<128xi32, #tpu.memory_space<vmem>>) semaphore(%run_scoped3A_428 : memref<!tpu.dma_semaphore, #tpu.memory_space<semaphore_mem>>) {add = true}
        %dma_wait3A_448 = arith.constant 0 : i32
        %dma_wait3A_449 = arith.constant 0 : i32
        %dma_wait3A_450 = tpu.memref_slice %arg7[%run_scoped3A_354, %dma_wait3A_448, %dma_wait3A_449] : memref<2x128x128xf32, #tpu.memory_space<vmem>> -> memref<1x128x128xf32, #tpu.memory_space<vmem>>
        %dma_wait3A_451 = tpu.memref_squeeze %dma_wait3A_450 : memref<1x128x128xf32, #tpu.memory_space<vmem>> -> memref<128x128xf32, #tpu.memory_space<vmem>>
        %dma_wait3A_452 = arith.constant 0 : i32
        %dma_wait3A_453 = arith.constant 0 : i32
        %dma_wait3A_454 = arith.constant 0 : i32
        %dma_wait3A_455 = tpu.memref_slice %arg6[%run_scoped3A_355, %dma_wait3A_452, %dma_wait3A_453, %dma_wait3A_454] : memref<2x4x2x128xi32, #tpu.memory_space<vmem>> -> memref<1x4x2x128xi32, #tpu.memory_space<vmem>>
        %dma_wait3A_456 = tpu.memref_squeeze %dma_wait3A_455 : memref<1x4x2x128xi32, #tpu.memory_space<vmem>> -> memref<4x2x128xi32, #tpu.memory_space<vmem>>
        %dma_wait3A_457 = arith.constant 0 : i32
        %dma_wait3A_458 = arith.constant 0 : i32
        %dma_wait3A_459 = tpu.memref_slice %dma_wait3A_456[%run_scoped3A_356, %dma_wait3A_457, %dma_wait3A_458] : memref<4x2x128xi32, #tpu.memory_space<vmem>> -> memref<1x2x128xi32, #tpu.memory_space<vmem>>
        %dma_wait3A_460 = tpu.memref_squeeze %dma_wait3A_459 : memref<1x2x128xi32, #tpu.memory_space<vmem>> -> memref<2x128xi32, #tpu.memory_space<vmem>>
        %dma_wait3A_461 = arith.constant 0 : i32
        %dma_wait3A_462 = tpu.memref_slice %dma_wait3A_460[%run_scoped3A_357, %dma_wait3A_461] : memref<2x128xi32, #tpu.memory_space<vmem>> -> memref<1x128xi32, #tpu.memory_space<vmem>>
        %dma_wait3A_463 = tpu.memref_squeeze %dma_wait3A_462 : memref<1x128xi32, #tpu.memory_space<vmem>> -> memref<128xi32, #tpu.memory_space<vmem>>
        %dma_wait3A_464 = arith.constant 0 : i32
        %dma_wait3A_465 = arith.constant 0 : i32
        %dma_wait3A_466 = tpu.memref_slice %arg5[%dma_wait3A_464, %dma_wait3A_465] : memref<10008x128xf32, #tpu.memory_space<vmem_shared>> -> memref<10008x128xf32, #tpu.memory_space<vmem_shared>>
        tpu.wait_indirect_dma semaphore(%run_scoped3A_428 : memref<!tpu.dma_semaphore, #tpu.memory_space<semaphore_mem>>) src(%dma_wait3A_451 : memref<128x128xf32, #tpu.memory_space<vmem>>) dst(%dma_wait3A_466 : memref<10008x128xf32, #tpu.memory_space<vmem_shared>>)
        tpu.yield
      }) : () -> ()
      %lt3A = arith.constant 9 : i32
      %lt3A_358 = arith.cmpi slt, %add3A_322, %lt3A : i32
      %convert_element_type3A_359 = arith.extui %lt3A_358 : i1 to i32
      %cond3A_360 = arith.constant 0 : i32
      %cond3A_361 = arith.cmpi ne, %convert_element_type3A_359, %cond3A_360 : i32
      scf.if %cond3A_361 {
        %mul3A_428 = arith.constant 2 : i32
        %mul3A_429 = arith.muli %mul3A_428, %add3A_322 : i32
        %add3A_430 = arith.constant 2 : i32
        %add3A_431 = arith.addi %mul3A_429, %add3A_430 : i32
        %mul3A_432 = arith.constant 4 : i32
        %mul3A_433 = arith.muli %add3A_431, %mul3A_432 : i32
        %dma_start3A_434 = arith.constant 0 : i32
        %dma_start3A_435 = arith.constant 0 : i32
        %dma_start3A_436 = arith.constant 0 : i32
        %dma_start3A_437 = arith.constant 0 : i32
        %dma_start3A_438 = tpu.memref_slice %arg6[%dma_start3A_434, %dma_start3A_435, %dma_start3A_436, %dma_start3A_437] : memref<2x4x2x128xi32, #tpu.memory_space<vmem>> -> memref<1x4x2x128xi32, #tpu.memory_space<vmem>>
        %dma_start3A_439 = tpu.memref_squeeze %dma_start3A_438 : memref<1x4x2x128xi32, #tpu.memory_space<vmem>> -> memref<4x2x128xi32, #tpu.memory_space<vmem>>
        %dma_start3A_440 = arith.constant 0 : i32
        %dma_start3A_441 = arith.constant 0 : i32
        %dma_start3A_442 = arith.constant 0 : i32
        %dma_start3A_443 = tpu.memref_slice %arg3[%add3A, %dma_start3A_440, %dma_start3A_441, %dma_start3A_442] : memref<32x80x2x128xi32, #tpu.memory_space<hbm>> -> memref<1x80x2x128xi32, #tpu.memory_space<hbm>>
        %dma_start3A_444 = tpu.memref_squeeze %dma_start3A_443 : memref<1x80x2x128xi32, #tpu.memory_space<hbm>> -> memref<80x2x128xi32, #tpu.memory_space<hbm>>
        %dma_start3A_445 = arith.constant 0 : i32
        %dma_start3A_446 = arith.constant 0 : i32
        %dma_start3A_447 = tpu.memref_slice %dma_start3A_444[%mul3A_433, %dma_start3A_445, %dma_start3A_446] : memref<80x2x128xi32, #tpu.memory_space<hbm>> -> memref<4x2x128xi32, #tpu.memory_space<hbm>>
        %dma_start3A_448 = arith.constant 0 : i32
        %dma_start3A_449 = arith.constant 0 : i32
        %dma_start3A_450 = arith.constant 0 : i32
        %dma_start3A_451 = tpu.memref_slice %arg6[%dma_start3A_434, %dma_start3A_448, %dma_start3A_449, %dma_start3A_450] : memref<2x4x2x128xi32, #tpu.memory_space<vmem>> -> memref<1x4x2x128xi32, #tpu.memory_space<vmem>>
        %dma_start3A_452 = tpu.memref_squeeze %dma_start3A_451 : memref<1x4x2x128xi32, #tpu.memory_space<vmem>> -> memref<4x2x128xi32, #tpu.memory_space<vmem>>
        %dma_start3A_453 = arith.constant 0 : i32
        %dma_start3A_454 = arith.constant 0 : i32
        %dma_start3A_455 = arith.constant 0 : i32
        %dma_start3A_456 = tpu.memref_slice %arg3[%add3A, %dma_start3A_453, %dma_start3A_454, %dma_start3A_455] : memref<32x80x2x128xi32, #tpu.memory_space<hbm>> -> memref<1x80x2x128xi32, #tpu.memory_space<hbm>>
        %dma_start3A_457 = tpu.memref_squeeze %dma_start3A_456 : memref<1x80x2x128xi32, #tpu.memory_space<hbm>> -> memref<80x2x128xi32, #tpu.memory_space<hbm>>
        %dma_start3A_458 = arith.constant 0 : i32
        %dma_start3A_459 = arith.constant 0 : i32
        %dma_start3A_460 = tpu.memref_slice %dma_start3A_457[%mul3A_433, %dma_start3A_458, %dma_start3A_459] : memref<80x2x128xi32, #tpu.memory_space<hbm>> -> memref<4x2x128xi32, #tpu.memory_space<hbm>>
        tpu.enqueue_dma source(%dma_start3A_460 : memref<4x2x128xi32, #tpu.memory_space<hbm>>) target(%dma_start3A_452 : memref<4x2x128xi32, #tpu.memory_space<vmem>>) target_semaphore(%arg9 : memref<!tpu.dma_semaphore, #tpu.memory_space<semaphore_mem>>)
      } else {
      }
      %dma_wait3A_362 = arith.constant 1 : i32
      %dma_wait3A_363 = arith.constant 0 : i32
      %dma_wait3A_364 = arith.constant 0 : i32
      %dma_wait3A_365 = arith.constant 0 : i32
      %dma_wait3A_366 = tpu.memref_slice %arg6[%dma_wait3A_362, %dma_wait3A_363, %dma_wait3A_364, %dma_wait3A_365] : memref<2x4x2x128xi32, #tpu.memory_space<vmem>> -> memref<1x4x2x128xi32, #tpu.memory_space<vmem>>
      %dma_wait3A_367 = tpu.memref_squeeze %dma_wait3A_366 : memref<1x4x2x128xi32, #tpu.memory_space<vmem>> -> memref<4x2x128xi32, #tpu.memory_space<vmem>>
      %dma_wait3A_368 = arith.constant 0 : i32
      %dma_wait3A_369 = arith.constant 0 : i32
      %dma_wait3A_370 = arith.constant 0 : i32
      %dma_wait3A_371 = tpu.memref_slice %arg3[%add3A, %dma_wait3A_368, %dma_wait3A_369, %dma_wait3A_370] : memref<32x80x2x128xi32, #tpu.memory_space<hbm>> -> memref<1x80x2x128xi32, #tpu.memory_space<hbm>>
      %dma_wait3A_372 = tpu.memref_squeeze %dma_wait3A_371 : memref<1x80x2x128xi32, #tpu.memory_space<hbm>> -> memref<80x2x128xi32, #tpu.memory_space<hbm>>
      %dma_wait3A_373 = arith.constant 0 : i32
      %dma_wait3A_374 = arith.constant 0 : i32
      %dma_wait3A_375 = arith.constant 0 : i32
      %dma_wait3A_376 = tpu.memref_slice %dma_wait3A_372[%dma_wait3A_373, %dma_wait3A_374, %dma_wait3A_375] : memref<80x2x128xi32, #tpu.memory_space<hbm>> -> memref<4x2x128xi32, #tpu.memory_space<hbm>>
      %dma_wait3A_377 = arith.constant 0 : i32
      %dma_wait3A_378 = arith.constant 0 : i32
      %dma_wait3A_379 = arith.constant 0 : i32
      %dma_wait3A_380 = tpu.memref_slice %arg6[%dma_wait3A_362, %dma_wait3A_377, %dma_wait3A_378, %dma_wait3A_379] : memref<2x4x2x128xi32, #tpu.memory_space<vmem>> -> memref<1x4x2x128xi32, #tpu.memory_space<vmem>>
      %dma_wait3A_381 = tpu.memref_squeeze %dma_wait3A_380 : memref<1x4x2x128xi32, #tpu.memory_space<vmem>> -> memref<4x2x128xi32, #tpu.memory_space<vmem>>
      %dma_wait3A_382 = arith.constant 0 : i32
      %dma_wait3A_383 = arith.constant 0 : i32
      %dma_wait3A_384 = arith.constant 0 : i32
      %dma_wait3A_385 = tpu.memref_slice %arg3[%add3A, %dma_wait3A_382, %dma_wait3A_383, %dma_wait3A_384] : memref<32x80x2x128xi32, #tpu.memory_space<hbm>> -> memref<1x80x2x128xi32, #tpu.memory_space<hbm>>
      %dma_wait3A_386 = tpu.memref_squeeze %dma_wait3A_385 : memref<1x80x2x128xi32, #tpu.memory_space<hbm>> -> memref<80x2x128xi32, #tpu.memory_space<hbm>>
      %dma_wait3A_387 = arith.constant 0 : i32
      %dma_wait3A_388 = arith.constant 0 : i32
      %dma_wait3A_389 = arith.constant 0 : i32
      %dma_wait3A_390 = tpu.memref_slice %dma_wait3A_386[%dma_wait3A_387, %dma_wait3A_388, %dma_wait3A_389] : memref<80x2x128xi32, #tpu.memory_space<hbm>> -> memref<4x2x128xi32, #tpu.memory_space<hbm>>
      tpu.wait_dma2 semaphore(%arg10 : memref<!tpu.dma_semaphore, #tpu.memory_space<semaphore_mem>>) src(%dma_wait3A_390 : memref<4x2x128xi32, #tpu.memory_space<hbm>>) dst(%dma_wait3A_381 : memref<4x2x128xi32, #tpu.memory_space<vmem>>)
      %run_scoped3A_391 = arith.constant 1 : i32
      %run_scoped3A_392 = arith.constant 0 : i32
      %run_scoped3A_393 = arith.constant 0 : i32
      %run_scoped3A_394 = arith.constant 0 : i32
      "tpu.region"() ({
        %run_scoped3A_428 = tpu.sem_alloc : memref<!tpu.dma_semaphore, #tpu.memory_space<semaphore_mem>>
        %dma_start3A_429 = arith.constant 0 : i32
        %dma_start3A_430 = arith.constant 0 : i32
        %dma_start3A_431 = tpu.memref_slice %arg7[%run_scoped3A_394, %dma_start3A_429, %dma_start3A_430] : memref<2x128x128xf32, #tpu.memory_space<vmem>> -> memref<1x128x128xf32, #tpu.memory_space<vmem>>
        %dma_start3A_432 = tpu.memref_squeeze %dma_start3A_431 : memref<1x128x128xf32, #tpu.memory_space<vmem>> -> memref<128x128xf32, #tpu.memory_space<vmem>>
        %dma_start3A_433 = arith.constant 0 : i32
        %dma_start3A_434 = arith.constant 0 : i32
        %dma_start3A_435 = arith.constant 0 : i32
        %dma_start3A_436 = tpu.memref_slice %arg6[%run_scoped3A_391, %dma_start3A_433, %dma_start3A_434, %dma_start3A_435] : memref<2x4x2x128xi32, #tpu.memory_space<vmem>> -> memref<1x4x2x128xi32, #tpu.memory_space<vmem>>
        %dma_start3A_437 = tpu.memref_squeeze %dma_start3A_436 : memref<1x4x2x128xi32, #tpu.memory_space<vmem>> -> memref<4x2x128xi32, #tpu.memory_space<vmem>>
        %dma_start3A_438 = arith.constant 0 : i32
        %dma_start3A_439 = arith.constant 0 : i32
        %dma_start3A_440 = tpu.memref_slice %dma_start3A_437[%run_scoped3A_392, %dma_start3A_438, %dma_start3A_439] : memref<4x2x128xi32, #tpu.memory_space<vmem>> -> memref<1x2x128xi32, #tpu.memory_space<vmem>>
        %dma_start3A_441 = tpu.memref_squeeze %dma_start3A_440 : memref<1x2x128xi32, #tpu.memory_space<vmem>> -> memref<2x128xi32, #tpu.memory_space<vmem>>
        %dma_start3A_442 = arith.constant 0 : i32
        %dma_start3A_443 = tpu.memref_slice %dma_start3A_441[%run_scoped3A_393, %dma_start3A_442] : memref<2x128xi32, #tpu.memory_space<vmem>> -> memref<1x128xi32, #tpu.memory_space<vmem>>
        %dma_start3A_444 = tpu.memref_squeeze %dma_start3A_443 : memref<1x128xi32, #tpu.memory_space<vmem>> -> memref<128xi32, #tpu.memory_space<vmem>>
        %dma_start3A_445 = arith.constant 0 : i32
        %dma_start3A_446 = arith.constant 0 : i32
        %dma_start3A_447 = tpu.memref_slice %arg2[%dma_start3A_445, %dma_start3A_446] : memref<10000x128xf32, #tpu.memory_space<hbm>> -> memref<10000x128xf32, #tpu.memory_space<hbm>>
        tpu.enqueue_indirect_dma source(%dma_start3A_447 : memref<10000x128xf32, #tpu.memory_space<hbm>>) target(%dma_start3A_432 : memref<128x128xf32, #tpu.memory_space<vmem>>) offsets(%dma_start3A_444 : memref<128xi32, #tpu.memory_space<vmem>>) semaphore(%run_scoped3A_428 : memref<!tpu.dma_semaphore, #tpu.memory_space<semaphore_mem>>)
        %dma_wait3A_448 = arith.constant 0 : i32
        %dma_wait3A_449 = arith.constant 0 : i32
        %dma_wait3A_450 = tpu.memref_slice %arg7[%run_scoped3A_394, %dma_wait3A_448, %dma_wait3A_449] : memref<2x128x128xf32, #tpu.memory_space<vmem>> -> memref<1x128x128xf32, #tpu.memory_space<vmem>>
        %dma_wait3A_451 = tpu.memref_squeeze %dma_wait3A_450 : memref<1x128x128xf32, #tpu.memory_space<vmem>> -> memref<128x128xf32, #tpu.memory_space<vmem>>
        %dma_wait3A_452 = arith.constant 0 : i32
        %dma_wait3A_453 = arith.constant 0 : i32
        %dma_wait3A_454 = arith.constant 0 : i32
        %dma_wait3A_455 = tpu.memref_slice %arg6[%run_scoped3A_391, %dma_wait3A_452, %dma_wait3A_453, %dma_wait3A_454] : memref<2x4x2x128xi32, #tpu.memory_space<vmem>> -> memref<1x4x2x128xi32, #tpu.memory_space<vmem>>
        %dma_wait3A_456 = tpu.memref_squeeze %dma_wait3A_455 : memref<1x4x2x128xi32, #tpu.memory_space<vmem>> -> memref<4x2x128xi32, #tpu.memory_space<vmem>>
        %dma_wait3A_457 = arith.constant 0 : i32
        %dma_wait3A_458 = arith.constant 0 : i32
        %dma_wait3A_459 = tpu.memref_slice %dma_wait3A_456[%run_scoped3A_392, %dma_wait3A_457, %dma_wait3A_458] : memref<4x2x128xi32, #tpu.memory_space<vmem>> -> memref<1x2x128xi32, #tpu.memory_space<vmem>>
        %dma_wait3A_460 = tpu.memref_squeeze %dma_wait3A_459 : memref<1x2x128xi32, #tpu.memory_space<vmem>> -> memref<2x128xi32, #tpu.memory_space<vmem>>
        %dma_wait3A_461 = arith.constant 0 : i32
        %dma_wait3A_462 = tpu.memref_slice %dma_wait3A_460[%run_scoped3A_393, %dma_wait3A_461] : memref<2x128xi32, #tpu.memory_space<vmem>> -> memref<1x128xi32, #tpu.memory_space<vmem>>
        %dma_wait3A_463 = tpu.memref_squeeze %dma_wait3A_462 : memref<1x128xi32, #tpu.memory_space<vmem>> -> memref<128xi32, #tpu.memory_space<vmem>>
        %dma_wait3A_464 = arith.constant 0 : i32
        %dma_wait3A_465 = arith.constant 0 : i32
        %dma_wait3A_466 = tpu.memref_slice %arg2[%dma_wait3A_464, %dma_wait3A_465] : memref<10000x128xf32, #tpu.memory_space<hbm>> -> memref<10000x128xf32, #tpu.memory_space<hbm>>
        tpu.wait_indirect_dma semaphore(%run_scoped3A_428 : memref<!tpu.dma_semaphore, #tpu.memory_space<semaphore_mem>>) src(%dma_wait3A_466 : memref<10000x128xf32, #tpu.memory_space<hbm>>) dst(%dma_wait3A_451 : memref<128x128xf32, #tpu.memory_space<vmem>>)
        tpu.yield
      }) : () -> ()
      %run_scoped3A_395 = arith.constant 0 : i32
      %run_scoped3A_396 = arith.constant 1 : i32
      %run_scoped3A_397 = arith.constant 0 : i32
      %run_scoped3A_398 = arith.constant 1 : i32
      "tpu.region"() ({
        %run_scoped3A_428 = tpu.sem_alloc : memref<!tpu.dma_semaphore, #tpu.memory_space<semaphore_mem>>
        %dma_start3A_429 = arith.constant 0 : i32
        %dma_start3A_430 = arith.constant 0 : i32
        %dma_start3A_431 = tpu.memref_slice %arg7[%run_scoped3A_395, %dma_start3A_429, %dma_start3A_430] : memref<2x128x128xf32, #tpu.memory_space<vmem>> -> memref<1x128x128xf32, #tpu.memory_space<vmem>>
        %dma_start3A_432 = tpu.memref_squeeze %dma_start3A_431 : memref<1x128x128xf32, #tpu.memory_space<vmem>> -> memref<128x128xf32, #tpu.memory_space<vmem>>
        %dma_start3A_433 = arith.constant 0 : i32
        %dma_start3A_434 = arith.constant 0 : i32
        %dma_start3A_435 = arith.constant 0 : i32
        %dma_start3A_436 = tpu.memref_slice %arg6[%run_scoped3A_396, %dma_start3A_433, %dma_start3A_434, %dma_start3A_435] : memref<2x4x2x128xi32, #tpu.memory_space<vmem>> -> memref<1x4x2x128xi32, #tpu.memory_space<vmem>>
        %dma_start3A_437 = tpu.memref_squeeze %dma_start3A_436 : memref<1x4x2x128xi32, #tpu.memory_space<vmem>> -> memref<4x2x128xi32, #tpu.memory_space<vmem>>
        %dma_start3A_438 = arith.constant 0 : i32
        %dma_start3A_439 = arith.constant 0 : i32
        %dma_start3A_440 = tpu.memref_slice %dma_start3A_437[%run_scoped3A_397, %dma_start3A_438, %dma_start3A_439] : memref<4x2x128xi32, #tpu.memory_space<vmem>> -> memref<1x2x128xi32, #tpu.memory_space<vmem>>
        %dma_start3A_441 = tpu.memref_squeeze %dma_start3A_440 : memref<1x2x128xi32, #tpu.memory_space<vmem>> -> memref<2x128xi32, #tpu.memory_space<vmem>>
        %dma_start3A_442 = arith.constant 0 : i32
        %dma_start3A_443 = tpu.memref_slice %dma_start3A_441[%run_scoped3A_398, %dma_start3A_442] : memref<2x128xi32, #tpu.memory_space<vmem>> -> memref<1x128xi32, #tpu.memory_space<vmem>>
        %dma_start3A_444 = tpu.memref_squeeze %dma_start3A_443 : memref<1x128xi32, #tpu.memory_space<vmem>> -> memref<128xi32, #tpu.memory_space<vmem>>
        %dma_start3A_445 = arith.constant 0 : i32
        %dma_start3A_446 = arith.constant 0 : i32
        %dma_start3A_447 = tpu.memref_slice %arg5[%dma_start3A_445, %dma_start3A_446] : memref<10008x128xf32, #tpu.memory_space<vmem_shared>> -> memref<10008x128xf32, #tpu.memory_space<vmem_shared>>
        tpu.enqueue_indirect_dma source(%dma_start3A_432 : memref<128x128xf32, #tpu.memory_space<vmem>>) target(%dma_start3A_447 : memref<10008x128xf32, #tpu.memory_space<vmem_shared>>) offsets(%dma_start3A_444 : memref<128xi32, #tpu.memory_space<vmem>>) semaphore(%run_scoped3A_428 : memref<!tpu.dma_semaphore, #tpu.memory_space<semaphore_mem>>) {add = true}
        %dma_wait3A_448 = arith.constant 0 : i32
        %dma_wait3A_449 = arith.constant 0 : i32
        %dma_wait3A_450 = tpu.memref_slice %arg7[%run_scoped3A_395, %dma_wait3A_448, %dma_wait3A_449] : memref<2x128x128xf32, #tpu.memory_space<vmem>> -> memref<1x128x128xf32, #tpu.memory_space<vmem>>
        %dma_wait3A_451 = tpu.memref_squeeze %dma_wait3A_450 : memref<1x128x128xf32, #tpu.memory_space<vmem>> -> memref<128x128xf32, #tpu.memory_space<vmem>>
        %dma_wait3A_452 = arith.constant 0 : i32
        %dma_wait3A_453 = arith.constant 0 : i32
        %dma_wait3A_454 = arith.constant 0 : i32
        %dma_wait3A_455 = tpu.memref_slice %arg6[%run_scoped3A_396, %dma_wait3A_452, %dma_wait3A_453, %dma_wait3A_454] : memref<2x4x2x128xi32, #tpu.memory_space<vmem>> -> memref<1x4x2x128xi32, #tpu.memory_space<vmem>>
        %dma_wait3A_456 = tpu.memref_squeeze %dma_wait3A_455 : memref<1x4x2x128xi32, #tpu.memory_space<vmem>> -> memref<4x2x128xi32, #tpu.memory_space<vmem>>
        %dma_wait3A_457 = arith.constant 0 : i32
        %dma_wait3A_458 = arith.constant 0 : i32
        %dma_wait3A_459 = tpu.memref_slice %dma_wait3A_456[%run_scoped3A_397, %dma_wait3A_457, %dma_wait3A_458] : memref<4x2x128xi32, #tpu.memory_space<vmem>> -> memref<1x2x128xi32, #tpu.memory_space<vmem>>
        %dma_wait3A_460 = tpu.memref_squeeze %dma_wait3A_459 : memref<1x2x128xi32, #tpu.memory_space<vmem>> -> memref<2x128xi32, #tpu.memory_space<vmem>>
        %dma_wait3A_461 = arith.constant 0 : i32
        %dma_wait3A_462 = tpu.memref_slice %dma_wait3A_460[%run_scoped3A_398, %dma_wait3A_461] : memref<2x128xi32, #tpu.memory_space<vmem>> -> memref<1x128xi32, #tpu.memory_space<vmem>>
        %dma_wait3A_463 = tpu.memref_squeeze %dma_wait3A_462 : memref<1x128xi32, #tpu.memory_space<vmem>> -> memref<128xi32, #tpu.memory_space<vmem>>
        %dma_wait3A_464 = arith.constant 0 : i32
        %dma_wait3A_465 = arith.constant 0 : i32
        %dma_wait3A_466 = tpu.memref_slice %arg5[%dma_wait3A_464, %dma_wait3A_465] : memref<10008x128xf32, #tpu.memory_space<vmem_shared>> -> memref<10008x128xf32, #tpu.memory_space<vmem_shared>>
        tpu.wait_indirect_dma semaphore(%run_scoped3A_428 : memref<!tpu.dma_semaphore, #tpu.memory_space<semaphore_mem>>) src(%dma_wait3A_451 : memref<128x128xf32, #tpu.memory_space<vmem>>) dst(%dma_wait3A_466 : memref<10008x128xf32, #tpu.memory_space<vmem_shared>>)
        tpu.yield
      }) : () -> ()
      %run_scoped3A_399 = arith.constant 1 : i32
      %run_scoped3A_400 = arith.constant 1 : i32
      %run_scoped3A_401 = arith.constant 0 : i32
      %run_scoped3A_402 = arith.constant 0 : i32
      "tpu.region"() ({
        %run_scoped3A_428 = tpu.sem_alloc : memref<!tpu.dma_semaphore, #tpu.memory_space<semaphore_mem>>
        %dma_start3A_429 = arith.constant 0 : i32
        %dma_start3A_430 = arith.constant 0 : i32
        %dma_start3A_431 = tpu.memref_slice %arg7[%run_scoped3A_402, %dma_start3A_429, %dma_start3A_430] : memref<2x128x128xf32, #tpu.memory_space<vmem>> -> memref<1x128x128xf32, #tpu.memory_space<vmem>>
        %dma_start3A_432 = tpu.memref_squeeze %dma_start3A_431 : memref<1x128x128xf32, #tpu.memory_space<vmem>> -> memref<128x128xf32, #tpu.memory_space<vmem>>
        %dma_start3A_433 = arith.constant 0 : i32
        %dma_start3A_434 = arith.constant 0 : i32
        %dma_start3A_435 = arith.constant 0 : i32
        %dma_start3A_436 = tpu.memref_slice %arg6[%run_scoped3A_399, %dma_start3A_433, %dma_start3A_434, %dma_start3A_435] : memref<2x4x2x128xi32, #tpu.memory_space<vmem>> -> memref<1x4x2x128xi32, #tpu.memory_space<vmem>>
        %dma_start3A_437 = tpu.memref_squeeze %dma_start3A_436 : memref<1x4x2x128xi32, #tpu.memory_space<vmem>> -> memref<4x2x128xi32, #tpu.memory_space<vmem>>
        %dma_start3A_438 = arith.constant 0 : i32
        %dma_start3A_439 = arith.constant 0 : i32
        %dma_start3A_440 = tpu.memref_slice %dma_start3A_437[%run_scoped3A_400, %dma_start3A_438, %dma_start3A_439] : memref<4x2x128xi32, #tpu.memory_space<vmem>> -> memref<1x2x128xi32, #tpu.memory_space<vmem>>
        %dma_start3A_441 = tpu.memref_squeeze %dma_start3A_440 : memref<1x2x128xi32, #tpu.memory_space<vmem>> -> memref<2x128xi32, #tpu.memory_space<vmem>>
        %dma_start3A_442 = arith.constant 0 : i32
        %dma_start3A_443 = tpu.memref_slice %dma_start3A_441[%run_scoped3A_401, %dma_start3A_442] : memref<2x128xi32, #tpu.memory_space<vmem>> -> memref<1x128xi32, #tpu.memory_space<vmem>>
        %dma_start3A_444 = tpu.memref_squeeze %dma_start3A_443 : memref<1x128xi32, #tpu.memory_space<vmem>> -> memref<128xi32, #tpu.memory_space<vmem>>
        %dma_start3A_445 = arith.constant 0 : i32
        %dma_start3A_446 = arith.constant 0 : i32
        %dma_start3A_447 = tpu.memref_slice %arg2[%dma_start3A_445, %dma_start3A_446] : memref<10000x128xf32, #tpu.memory_space<hbm>> -> memref<10000x128xf32, #tpu.memory_space<hbm>>
        tpu.enqueue_indirect_dma source(%dma_start3A_447 : memref<10000x128xf32, #tpu.memory_space<hbm>>) target(%dma_start3A_432 : memref<128x128xf32, #tpu.memory_space<vmem>>) offsets(%dma_start3A_444 : memref<128xi32, #tpu.memory_space<vmem>>) semaphore(%run_scoped3A_428 : memref<!tpu.dma_semaphore, #tpu.memory_space<semaphore_mem>>)
        %dma_wait3A_448 = arith.constant 0 : i32
        %dma_wait3A_449 = arith.constant 0 : i32
        %dma_wait3A_450 = tpu.memref_slice %arg7[%run_scoped3A_402, %dma_wait3A_448, %dma_wait3A_449] : memref<2x128x128xf32, #tpu.memory_space<vmem>> -> memref<1x128x128xf32, #tpu.memory_space<vmem>>
        %dma_wait3A_451 = tpu.memref_squeeze %dma_wait3A_450 : memref<1x128x128xf32, #tpu.memory_space<vmem>> -> memref<128x128xf32, #tpu.memory_space<vmem>>
        %dma_wait3A_452 = arith.constant 0 : i32
        %dma_wait3A_453 = arith.constant 0 : i32
        %dma_wait3A_454 = arith.constant 0 : i32
        %dma_wait3A_455 = tpu.memref_slice %arg6[%run_scoped3A_399, %dma_wait3A_452, %dma_wait3A_453, %dma_wait3A_454] : memref<2x4x2x128xi32, #tpu.memory_space<vmem>> -> memref<1x4x2x128xi32, #tpu.memory_space<vmem>>
        %dma_wait3A_456 = tpu.memref_squeeze %dma_wait3A_455 : memref<1x4x2x128xi32, #tpu.memory_space<vmem>> -> memref<4x2x128xi32, #tpu.memory_space<vmem>>
        %dma_wait3A_457 = arith.constant 0 : i32
        %dma_wait3A_458 = arith.constant 0 : i32
        %dma_wait3A_459 = tpu.memref_slice %dma_wait3A_456[%run_scoped3A_400, %dma_wait3A_457, %dma_wait3A_458] : memref<4x2x128xi32, #tpu.memory_space<vmem>> -> memref<1x2x128xi32, #tpu.memory_space<vmem>>
        %dma_wait3A_460 = tpu.memref_squeeze %dma_wait3A_459 : memref<1x2x128xi32, #tpu.memory_space<vmem>> -> memref<2x128xi32, #tpu.memory_space<vmem>>
        %dma_wait3A_461 = arith.constant 0 : i32
        %dma_wait3A_462 = tpu.memref_slice %dma_wait3A_460[%run_scoped3A_401, %dma_wait3A_461] : memref<2x128xi32, #tpu.memory_space<vmem>> -> memref<1x128xi32, #tpu.memory_space<vmem>>
        %dma_wait3A_463 = tpu.memref_squeeze %dma_wait3A_462 : memref<1x128xi32, #tpu.memory_space<vmem>> -> memref<128xi32, #tpu.memory_space<vmem>>
        %dma_wait3A_464 = arith.constant 0 : i32
        %dma_wait3A_465 = arith.constant 0 : i32
        %dma_wait3A_466 = tpu.memref_slice %arg2[%dma_wait3A_464, %dma_wait3A_465] : memref<10000x128xf32, #tpu.memory_space<hbm>> -> memref<10000x128xf32, #tpu.memory_space<hbm>>
        tpu.wait_indirect_dma semaphore(%run_scoped3A_428 : memref<!tpu.dma_semaphore, #tpu.memory_space<semaphore_mem>>) src(%dma_wait3A_466 : memref<10000x128xf32, #tpu.memory_space<hbm>>) dst(%dma_wait3A_451 : memref<128x128xf32, #tpu.memory_space<vmem>>)
        tpu.yield
      }) : () -> ()
      %run_scoped3A_403 = arith.constant 0 : i32
      %run_scoped3A_404 = arith.constant 1 : i32
      %run_scoped3A_405 = arith.constant 1 : i32
      %run_scoped3A_406 = arith.constant 1 : i32
      "tpu.region"() ({
        %run_scoped3A_428 = tpu.sem_alloc : memref<!tpu.dma_semaphore, #tpu.memory_space<semaphore_mem>>
        %dma_start3A_429 = arith.constant 0 : i32
        %dma_start3A_430 = arith.constant 0 : i32
        %dma_start3A_431 = tpu.memref_slice %arg7[%run_scoped3A_403, %dma_start3A_429, %dma_start3A_430] : memref<2x128x128xf32, #tpu.memory_space<vmem>> -> memref<1x128x128xf32, #tpu.memory_space<vmem>>
        %dma_start3A_432 = tpu.memref_squeeze %dma_start3A_431 : memref<1x128x128xf32, #tpu.memory_space<vmem>> -> memref<128x128xf32, #tpu.memory_space<vmem>>
        %dma_start3A_433 = arith.constant 0 : i32
        %dma_start3A_434 = arith.constant 0 : i32
        %dma_start3A_435 = arith.constant 0 : i32
        %dma_start3A_436 = tpu.memref_slice %arg6[%run_scoped3A_404, %dma_start3A_433, %dma_start3A_434, %dma_start3A_435] : memref<2x4x2x128xi32, #tpu.memory_space<vmem>> -> memref<1x4x2x128xi32, #tpu.memory_space<vmem>>
        %dma_start3A_437 = tpu.memref_squeeze %dma_start3A_436 : memref<1x4x2x128xi32, #tpu.memory_space<vmem>> -> memref<4x2x128xi32, #tpu.memory_space<vmem>>
        %dma_start3A_438 = arith.constant 0 : i32
        %dma_start3A_439 = arith.constant 0 : i32
        %dma_start3A_440 = tpu.memref_slice %dma_start3A_437[%run_scoped3A_405, %dma_start3A_438, %dma_start3A_439] : memref<4x2x128xi32, #tpu.memory_space<vmem>> -> memref<1x2x128xi32, #tpu.memory_space<vmem>>
        %dma_start3A_441 = tpu.memref_squeeze %dma_start3A_440 : memref<1x2x128xi32, #tpu.memory_space<vmem>> -> memref<2x128xi32, #tpu.memory_space<vmem>>
        %dma_start3A_442 = arith.constant 0 : i32
        %dma_start3A_443 = tpu.memref_slice %dma_start3A_441[%run_scoped3A_406, %dma_start3A_442] : memref<2x128xi32, #tpu.memory_space<vmem>> -> memref<1x128xi32, #tpu.memory_space<vmem>>
        %dma_start3A_444 = tpu.memref_squeeze %dma_start3A_443 : memref<1x128xi32, #tpu.memory_space<vmem>> -> memref<128xi32, #tpu.memory_space<vmem>>
        %dma_start3A_445 = arith.constant 0 : i32
        %dma_start3A_446 = arith.constant 0 : i32
        %dma_start3A_447 = tpu.memref_slice %arg5[%dma_start3A_445, %dma_start3A_446] : memref<10008x128xf32, #tpu.memory_space<vmem_shared>> -> memref<10008x128xf32, #tpu.memory_space<vmem_shared>>
        tpu.enqueue_indirect_dma source(%dma_start3A_432 : memref<128x128xf32, #tpu.memory_space<vmem>>) target(%dma_start3A_447 : memref<10008x128xf32, #tpu.memory_space<vmem_shared>>) offsets(%dma_start3A_444 : memref<128xi32, #tpu.memory_space<vmem>>) semaphore(%run_scoped3A_428 : memref<!tpu.dma_semaphore, #tpu.memory_space<semaphore_mem>>) {add = true}
        %dma_wait3A_448 = arith.constant 0 : i32
        %dma_wait3A_449 = arith.constant 0 : i32
        %dma_wait3A_450 = tpu.memref_slice %arg7[%run_scoped3A_403, %dma_wait3A_448, %dma_wait3A_449] : memref<2x128x128xf32, #tpu.memory_space<vmem>> -> memref<1x128x128xf32, #tpu.memory_space<vmem>>
        %dma_wait3A_451 = tpu.memref_squeeze %dma_wait3A_450 : memref<1x128x128xf32, #tpu.memory_space<vmem>> -> memref<128x128xf32, #tpu.memory_space<vmem>>
        %dma_wait3A_452 = arith.constant 0 : i32
        %dma_wait3A_453 = arith.constant 0 : i32
        %dma_wait3A_454 = arith.constant 0 : i32
        %dma_wait3A_455 = tpu.memref_slice %arg6[%run_scoped3A_404, %dma_wait3A_452, %dma_wait3A_453, %dma_wait3A_454] : memref<2x4x2x128xi32, #tpu.memory_space<vmem>> -> memref<1x4x2x128xi32, #tpu.memory_space<vmem>>
        %dma_wait3A_456 = tpu.memref_squeeze %dma_wait3A_455 : memref<1x4x2x128xi32, #tpu.memory_space<vmem>> -> memref<4x2x128xi32, #tpu.memory_space<vmem>>
        %dma_wait3A_457 = arith.constant 0 : i32
        %dma_wait3A_458 = arith.constant 0 : i32
        %dma_wait3A_459 = tpu.memref_slice %dma_wait3A_456[%run_scoped3A_405, %dma_wait3A_457, %dma_wait3A_458] : memref<4x2x128xi32, #tpu.memory_space<vmem>> -> memref<1x2x128xi32, #tpu.memory_space<vmem>>
        %dma_wait3A_460 = tpu.memref_squeeze %dma_wait3A_459 : memref<1x2x128xi32, #tpu.memory_space<vmem>> -> memref<2x128xi32, #tpu.memory_space<vmem>>
        %dma_wait3A_461 = arith.constant 0 : i32
        %dma_wait3A_462 = tpu.memref_slice %dma_wait3A_460[%run_scoped3A_406, %dma_wait3A_461] : memref<2x128xi32, #tpu.memory_space<vmem>> -> memref<1x128xi32, #tpu.memory_space<vmem>>
        %dma_wait3A_463 = tpu.memref_squeeze %dma_wait3A_462 : memref<1x128xi32, #tpu.memory_space<vmem>> -> memref<128xi32, #tpu.memory_space<vmem>>
        %dma_wait3A_464 = arith.constant 0 : i32
        %dma_wait3A_465 = arith.constant 0 : i32
        %dma_wait3A_466 = tpu.memref_slice %arg5[%dma_wait3A_464, %dma_wait3A_465] : memref<10008x128xf32, #tpu.memory_space<vmem_shared>> -> memref<10008x128xf32, #tpu.memory_space<vmem_shared>>
        tpu.wait_indirect_dma semaphore(%run_scoped3A_428 : memref<!tpu.dma_semaphore, #tpu.memory_space<semaphore_mem>>) src(%dma_wait3A_451 : memref<128x128xf32, #tpu.memory_space<vmem>>) dst(%dma_wait3A_466 : memref<10008x128xf32, #tpu.memory_space<vmem_shared>>)
        tpu.yield
      }) : () -> ()
      %run_scoped3A_407 = arith.constant 1 : i32
      %run_scoped3A_408 = arith.constant 2 : i32
      %run_scoped3A_409 = arith.constant 0 : i32
      %run_scoped3A_410 = arith.constant 0 : i32
      "tpu.region"() ({
        %run_scoped3A_428 = tpu.sem_alloc : memref<!tpu.dma_semaphore, #tpu.memory_space<semaphore_mem>>
        %dma_start3A_429 = arith.constant 0 : i32
        %dma_start3A_430 = arith.constant 0 : i32
        %dma_start3A_431 = tpu.memref_slice %arg7[%run_scoped3A_410, %dma_start3A_429, %dma_start3A_430] : memref<2x128x128xf32, #tpu.memory_space<vmem>> -> memref<1x128x128xf32, #tpu.memory_space<vmem>>
        %dma_start3A_432 = tpu.memref_squeeze %dma_start3A_431 : memref<1x128x128xf32, #tpu.memory_space<vmem>> -> memref<128x128xf32, #tpu.memory_space<vmem>>
        %dma_start3A_433 = arith.constant 0 : i32
        %dma_start3A_434 = arith.constant 0 : i32
        %dma_start3A_435 = arith.constant 0 : i32
        %dma_start3A_436 = tpu.memref_slice %arg6[%run_scoped3A_407, %dma_start3A_433, %dma_start3A_434, %dma_start3A_435] : memref<2x4x2x128xi32, #tpu.memory_space<vmem>> -> memref<1x4x2x128xi32, #tpu.memory_space<vmem>>
        %dma_start3A_437 = tpu.memref_squeeze %dma_start3A_436 : memref<1x4x2x128xi32, #tpu.memory_space<vmem>> -> memref<4x2x128xi32, #tpu.memory_space<vmem>>
        %dma_start3A_438 = arith.constant 0 : i32
        %dma_start3A_439 = arith.constant 0 : i32
        %dma_start3A_440 = tpu.memref_slice %dma_start3A_437[%run_scoped3A_408, %dma_start3A_438, %dma_start3A_439] : memref<4x2x128xi32, #tpu.memory_space<vmem>> -> memref<1x2x128xi32, #tpu.memory_space<vmem>>
        %dma_start3A_441 = tpu.memref_squeeze %dma_start3A_440 : memref<1x2x128xi32, #tpu.memory_space<vmem>> -> memref<2x128xi32, #tpu.memory_space<vmem>>
        %dma_start3A_442 = arith.constant 0 : i32
        %dma_start3A_443 = tpu.memref_slice %dma_start3A_441[%run_scoped3A_409, %dma_start3A_442] : memref<2x128xi32, #tpu.memory_space<vmem>> -> memref<1x128xi32, #tpu.memory_space<vmem>>
        %dma_start3A_444 = tpu.memref_squeeze %dma_start3A_443 : memref<1x128xi32, #tpu.memory_space<vmem>> -> memref<128xi32, #tpu.memory_space<vmem>>
        %dma_start3A_445 = arith.constant 0 : i32
        %dma_start3A_446 = arith.constant 0 : i32
        %dma_start3A_447 = tpu.memref_slice %arg2[%dma_start3A_445, %dma_start3A_446] : memref<10000x128xf32, #tpu.memory_space<hbm>> -> memref<10000x128xf32, #tpu.memory_space<hbm>>
        tpu.enqueue_indirect_dma source(%dma_start3A_447 : memref<10000x128xf32, #tpu.memory_space<hbm>>) target(%dma_start3A_432 : memref<128x128xf32, #tpu.memory_space<vmem>>) offsets(%dma_start3A_444 : memref<128xi32, #tpu.memory_space<vmem>>) semaphore(%run_scoped3A_428 : memref<!tpu.dma_semaphore, #tpu.memory_space<semaphore_mem>>)
        %dma_wait3A_448 = arith.constant 0 : i32
        %dma_wait3A_449 = arith.constant 0 : i32
        %dma_wait3A_450 = tpu.memref_slice %arg7[%run_scoped3A_410, %dma_wait3A_448, %dma_wait3A_449] : memref<2x128x128xf32, #tpu.memory_space<vmem>> -> memref<1x128x128xf32, #tpu.memory_space<vmem>>
        %dma_wait3A_451 = tpu.memref_squeeze %dma_wait3A_450 : memref<1x128x128xf32, #tpu.memory_space<vmem>> -> memref<128x128xf32, #tpu.memory_space<vmem>>
        %dma_wait3A_452 = arith.constant 0 : i32
        %dma_wait3A_453 = arith.constant 0 : i32
        %dma_wait3A_454 = arith.constant 0 : i32
        %dma_wait3A_455 = tpu.memref_slice %arg6[%run_scoped3A_407, %dma_wait3A_452, %dma_wait3A_453, %dma_wait3A_454] : memref<2x4x2x128xi32, #tpu.memory_space<vmem>> -> memref<1x4x2x128xi32, #tpu.memory_space<vmem>>
        %dma_wait3A_456 = tpu.memref_squeeze %dma_wait3A_455 : memref<1x4x2x128xi32, #tpu.memory_space<vmem>> -> memref<4x2x128xi32, #tpu.memory_space<vmem>>
        %dma_wait3A_457 = arith.constant 0 : i32
        %dma_wait3A_458 = arith.constant 0 : i32
        %dma_wait3A_459 = tpu.memref_slice %dma_wait3A_456[%run_scoped3A_408, %dma_wait3A_457, %dma_wait3A_458] : memref<4x2x128xi32, #tpu.memory_space<vmem>> -> memref<1x2x128xi32, #tpu.memory_space<vmem>>
        %dma_wait3A_460 = tpu.memref_squeeze %dma_wait3A_459 : memref<1x2x128xi32, #tpu.memory_space<vmem>> -> memref<2x128xi32, #tpu.memory_space<vmem>>
        %dma_wait3A_461 = arith.constant 0 : i32
        %dma_wait3A_462 = tpu.memref_slice %dma_wait3A_460[%run_scoped3A_409, %dma_wait3A_461] : memref<2x128xi32, #tpu.memory_space<vmem>> -> memref<1x128xi32, #tpu.memory_space<vmem>>
        %dma_wait3A_463 = tpu.memref_squeeze %dma_wait3A_462 : memref<1x128xi32, #tpu.memory_space<vmem>> -> memref<128xi32, #tpu.memory_space<vmem>>
        %dma_wait3A_464 = arith.constant 0 : i32
        %dma_wait3A_465 = arith.constant 0 : i32
        %dma_wait3A_466 = tpu.memref_slice %arg2[%dma_wait3A_464, %dma_wait3A_465] : memref<10000x128xf32, #tpu.memory_space<hbm>> -> memref<10000x128xf32, #tpu.memory_space<hbm>>
        tpu.wait_indirect_dma semaphore(%run_scoped3A_428 : memref<!tpu.dma_semaphore, #tpu.memory_space<semaphore_mem>>) src(%dma_wait3A_466 : memref<10000x128xf32, #tpu.memory_space<hbm>>) dst(%dma_wait3A_451 : memref<128x128xf32, #tpu.memory_space<vmem>>)
        tpu.yield
      }) : () -> ()
      %run_scoped3A_411 = arith.constant 0 : i32
      %run_scoped3A_412 = arith.constant 1 : i32
      %run_scoped3A_413 = arith.constant 2 : i32
      %run_scoped3A_414 = arith.constant 1 : i32
      "tpu.region"() ({
        %run_scoped3A_428 = tpu.sem_alloc : memref<!tpu.dma_semaphore, #tpu.memory_space<semaphore_mem>>
        %dma_start3A_429 = arith.constant 0 : i32
        %dma_start3A_430 = arith.constant 0 : i32
        %dma_start3A_431 = tpu.memref_slice %arg7[%run_scoped3A_411, %dma_start3A_429, %dma_start3A_430] : memref<2x128x128xf32, #tpu.memory_space<vmem>> -> memref<1x128x128xf32, #tpu.memory_space<vmem>>
        %dma_start3A_432 = tpu.memref_squeeze %dma_start3A_431 : memref<1x128x128xf32, #tpu.memory_space<vmem>> -> memref<128x128xf32, #tpu.memory_space<vmem>>
        %dma_start3A_433 = arith.constant 0 : i32
        %dma_start3A_434 = arith.constant 0 : i32
        %dma_start3A_435 = arith.constant 0 : i32
        %dma_start3A_436 = tpu.memref_slice %arg6[%run_scoped3A_412, %dma_start3A_433, %dma_start3A_434, %dma_start3A_435] : memref<2x4x2x128xi32, #tpu.memory_space<vmem>> -> memref<1x4x2x128xi32, #tpu.memory_space<vmem>>
        %dma_start3A_437 = tpu.memref_squeeze %dma_start3A_436 : memref<1x4x2x128xi32, #tpu.memory_space<vmem>> -> memref<4x2x128xi32, #tpu.memory_space<vmem>>
        %dma_start3A_438 = arith.constant 0 : i32
        %dma_start3A_439 = arith.constant 0 : i32
        %dma_start3A_440 = tpu.memref_slice %dma_start3A_437[%run_scoped3A_413, %dma_start3A_438, %dma_start3A_439] : memref<4x2x128xi32, #tpu.memory_space<vmem>> -> memref<1x2x128xi32, #tpu.memory_space<vmem>>
        %dma_start3A_441 = tpu.memref_squeeze %dma_start3A_440 : memref<1x2x128xi32, #tpu.memory_space<vmem>> -> memref<2x128xi32, #tpu.memory_space<vmem>>
        %dma_start3A_442 = arith.constant 0 : i32
        %dma_start3A_443 = tpu.memref_slice %dma_start3A_441[%run_scoped3A_414, %dma_start3A_442] : memref<2x128xi32, #tpu.memory_space<vmem>> -> memref<1x128xi32, #tpu.memory_space<vmem>>
        %dma_start3A_444 = tpu.memref_squeeze %dma_start3A_443 : memref<1x128xi32, #tpu.memory_space<vmem>> -> memref<128xi32, #tpu.memory_space<vmem>>
        %dma_start3A_445 = arith.constant 0 : i32
        %dma_start3A_446 = arith.constant 0 : i32
        %dma_start3A_447 = tpu.memref_slice %arg5[%dma_start3A_445, %dma_start3A_446] : memref<10008x128xf32, #tpu.memory_space<vmem_shared>> -> memref<10008x128xf32, #tpu.memory_space<vmem_shared>>
        tpu.enqueue_indirect_dma source(%dma_start3A_432 : memref<128x128xf32, #tpu.memory_space<vmem>>) target(%dma_start3A_447 : memref<10008x128xf32, #tpu.memory_space<vmem_shared>>) offsets(%dma_start3A_444 : memref<128xi32, #tpu.memory_space<vmem>>) semaphore(%run_scoped3A_428 : memref<!tpu.dma_semaphore, #tpu.memory_space<semaphore_mem>>) {add = true}
        %dma_wait3A_448 = arith.constant 0 : i32
        %dma_wait3A_449 = arith.constant 0 : i32
        %dma_wait3A_450 = tpu.memref_slice %arg7[%run_scoped3A_411, %dma_wait3A_448, %dma_wait3A_449] : memref<2x128x128xf32, #tpu.memory_space<vmem>> -> memref<1x128x128xf32, #tpu.memory_space<vmem>>
        %dma_wait3A_451 = tpu.memref_squeeze %dma_wait3A_450 : memref<1x128x128xf32, #tpu.memory_space<vmem>> -> memref<128x128xf32, #tpu.memory_space<vmem>>
        %dma_wait3A_452 = arith.constant 0 : i32
        %dma_wait3A_453 = arith.constant 0 : i32
        %dma_wait3A_454 = arith.constant 0 : i32
        %dma_wait3A_455 = tpu.memref_slice %arg6[%run_scoped3A_412, %dma_wait3A_452, %dma_wait3A_453, %dma_wait3A_454] : memref<2x4x2x128xi32, #tpu.memory_space<vmem>> -> memref<1x4x2x128xi32, #tpu.memory_space<vmem>>
        %dma_wait3A_456 = tpu.memref_squeeze %dma_wait3A_455 : memref<1x4x2x128xi32, #tpu.memory_space<vmem>> -> memref<4x2x128xi32, #tpu.memory_space<vmem>>
        %dma_wait3A_457 = arith.constant 0 : i32
        %dma_wait3A_458 = arith.constant 0 : i32
        %dma_wait3A_459 = tpu.memref_slice %dma_wait3A_456[%run_scoped3A_413, %dma_wait3A_457, %dma_wait3A_458] : memref<4x2x128xi32, #tpu.memory_space<vmem>> -> memref<1x2x128xi32, #tpu.memory_space<vmem>>
        %dma_wait3A_460 = tpu.memref_squeeze %dma_wait3A_459 : memref<1x2x128xi32, #tpu.memory_space<vmem>> -> memref<2x128xi32, #tpu.memory_space<vmem>>
        %dma_wait3A_461 = arith.constant 0 : i32
        %dma_wait3A_462 = tpu.memref_slice %dma_wait3A_460[%run_scoped3A_414, %dma_wait3A_461] : memref<2x128xi32, #tpu.memory_space<vmem>> -> memref<1x128xi32, #tpu.memory_space<vmem>>
        %dma_wait3A_463 = tpu.memref_squeeze %dma_wait3A_462 : memref<1x128xi32, #tpu.memory_space<vmem>> -> memref<128xi32, #tpu.memory_space<vmem>>
        %dma_wait3A_464 = arith.constant 0 : i32
        %dma_wait3A_465 = arith.constant 0 : i32
        %dma_wait3A_466 = tpu.memref_slice %arg5[%dma_wait3A_464, %dma_wait3A_465] : memref<10008x128xf32, #tpu.memory_space<vmem_shared>> -> memref<10008x128xf32, #tpu.memory_space<vmem_shared>>
        tpu.wait_indirect_dma semaphore(%run_scoped3A_428 : memref<!tpu.dma_semaphore, #tpu.memory_space<semaphore_mem>>) src(%dma_wait3A_451 : memref<128x128xf32, #tpu.memory_space<vmem>>) dst(%dma_wait3A_466 : memref<10008x128xf32, #tpu.memory_space<vmem_shared>>)
        tpu.yield
      }) : () -> ()
      %run_scoped3A_415 = arith.constant 1 : i32
      %run_scoped3A_416 = arith.constant 3 : i32
      %run_scoped3A_417 = arith.constant 0 : i32
      %run_scoped3A_418 = arith.constant 0 : i32
      "tpu.region"() ({
        %run_scoped3A_428 = tpu.sem_alloc : memref<!tpu.dma_semaphore, #tpu.memory_space<semaphore_mem>>
        %dma_start3A_429 = arith.constant 0 : i32
        %dma_start3A_430 = arith.constant 0 : i32
        %dma_start3A_431 = tpu.memref_slice %arg7[%run_scoped3A_418, %dma_start3A_429, %dma_start3A_430] : memref<2x128x128xf32, #tpu.memory_space<vmem>> -> memref<1x128x128xf32, #tpu.memory_space<vmem>>
        %dma_start3A_432 = tpu.memref_squeeze %dma_start3A_431 : memref<1x128x128xf32, #tpu.memory_space<vmem>> -> memref<128x128xf32, #tpu.memory_space<vmem>>
        %dma_start3A_433 = arith.constant 0 : i32
        %dma_start3A_434 = arith.constant 0 : i32
        %dma_start3A_435 = arith.constant 0 : i32
        %dma_start3A_436 = tpu.memref_slice %arg6[%run_scoped3A_415, %dma_start3A_433, %dma_start3A_434, %dma_start3A_435] : memref<2x4x2x128xi32, #tpu.memory_space<vmem>> -> memref<1x4x2x128xi32, #tpu.memory_space<vmem>>
        %dma_start3A_437 = tpu.memref_squeeze %dma_start3A_436 : memref<1x4x2x128xi32, #tpu.memory_space<vmem>> -> memref<4x2x128xi32, #tpu.memory_space<vmem>>
        %dma_start3A_438 = arith.constant 0 : i32
        %dma_start3A_439 = arith.constant 0 : i32
        %dma_start3A_440 = tpu.memref_slice %dma_start3A_437[%run_scoped3A_416, %dma_start3A_438, %dma_start3A_439] : memref<4x2x128xi32, #tpu.memory_space<vmem>> -> memref<1x2x128xi32, #tpu.memory_space<vmem>>
        %dma_start3A_441 = tpu.memref_squeeze %dma_start3A_440 : memref<1x2x128xi32, #tpu.memory_space<vmem>> -> memref<2x128xi32, #tpu.memory_space<vmem>>
        %dma_start3A_442 = arith.constant 0 : i32
        %dma_start3A_443 = tpu.memref_slice %dma_start3A_441[%run_scoped3A_417, %dma_start3A_442] : memref<2x128xi32, #tpu.memory_space<vmem>> -> memref<1x128xi32, #tpu.memory_space<vmem>>
        %dma_start3A_444 = tpu.memref_squeeze %dma_start3A_443 : memref<1x128xi32, #tpu.memory_space<vmem>> -> memref<128xi32, #tpu.memory_space<vmem>>
        %dma_start3A_445 = arith.constant 0 : i32
        %dma_start3A_446 = arith.constant 0 : i32
        %dma_start3A_447 = tpu.memref_slice %arg2[%dma_start3A_445, %dma_start3A_446] : memref<10000x128xf32, #tpu.memory_space<hbm>> -> memref<10000x128xf32, #tpu.memory_space<hbm>>
        tpu.enqueue_indirect_dma source(%dma_start3A_447 : memref<10000x128xf32, #tpu.memory_space<hbm>>) target(%dma_start3A_432 : memref<128x128xf32, #tpu.memory_space<vmem>>) offsets(%dma_start3A_444 : memref<128xi32, #tpu.memory_space<vmem>>) semaphore(%run_scoped3A_428 : memref<!tpu.dma_semaphore, #tpu.memory_space<semaphore_mem>>)
        %dma_wait3A_448 = arith.constant 0 : i32
        %dma_wait3A_449 = arith.constant 0 : i32
        %dma_wait3A_450 = tpu.memref_slice %arg7[%run_scoped3A_418, %dma_wait3A_448, %dma_wait3A_449] : memref<2x128x128xf32, #tpu.memory_space<vmem>> -> memref<1x128x128xf32, #tpu.memory_space<vmem>>
        %dma_wait3A_451 = tpu.memref_squeeze %dma_wait3A_450 : memref<1x128x128xf32, #tpu.memory_space<vmem>> -> memref<128x128xf32, #tpu.memory_space<vmem>>
        %dma_wait3A_452 = arith.constant 0 : i32
        %dma_wait3A_453 = arith.constant 0 : i32
        %dma_wait3A_454 = arith.constant 0 : i32
        %dma_wait3A_455 = tpu.memref_slice %arg6[%run_scoped3A_415, %dma_wait3A_452, %dma_wait3A_453, %dma_wait3A_454] : memref<2x4x2x128xi32, #tpu.memory_space<vmem>> -> memref<1x4x2x128xi32, #tpu.memory_space<vmem>>
        %dma_wait3A_456 = tpu.memref_squeeze %dma_wait3A_455 : memref<1x4x2x128xi32, #tpu.memory_space<vmem>> -> memref<4x2x128xi32, #tpu.memory_space<vmem>>
        %dma_wait3A_457 = arith.constant 0 : i32
        %dma_wait3A_458 = arith.constant 0 : i32
        %dma_wait3A_459 = tpu.memref_slice %dma_wait3A_456[%run_scoped3A_416, %dma_wait3A_457, %dma_wait3A_458] : memref<4x2x128xi32, #tpu.memory_space<vmem>> -> memref<1x2x128xi32, #tpu.memory_space<vmem>>
        %dma_wait3A_460 = tpu.memref_squeeze %dma_wait3A_459 : memref<1x2x128xi32, #tpu.memory_space<vmem>> -> memref<2x128xi32, #tpu.memory_space<vmem>>
        %dma_wait3A_461 = arith.constant 0 : i32
        %dma_wait3A_462 = tpu.memref_slice %dma_wait3A_460[%run_scoped3A_417, %dma_wait3A_461] : memref<2x128xi32, #tpu.memory_space<vmem>> -> memref<1x128xi32, #tpu.memory_space<vmem>>
        %dma_wait3A_463 = tpu.memref_squeeze %dma_wait3A_462 : memref<1x128xi32, #tpu.memory_space<vmem>> -> memref<128xi32, #tpu.memory_space<vmem>>
        %dma_wait3A_464 = arith.constant 0 : i32
        %dma_wait3A_465 = arith.constant 0 : i32
        %dma_wait3A_466 = tpu.memref_slice %arg2[%dma_wait3A_464, %dma_wait3A_465] : memref<10000x128xf32, #tpu.memory_space<hbm>> -> memref<10000x128xf32, #tpu.memory_space<hbm>>
        tpu.wait_indirect_dma semaphore(%run_scoped3A_428 : memref<!tpu.dma_semaphore, #tpu.memory_space<semaphore_mem>>) src(%dma_wait3A_466 : memref<10000x128xf32, #tpu.memory_space<hbm>>) dst(%dma_wait3A_451 : memref<128x128xf32, #tpu.memory_space<vmem>>)
        tpu.yield
      }) : () -> ()
      %run_scoped3A_419 = arith.constant 0 : i32
      %run_scoped3A_420 = arith.constant 1 : i32
      %run_scoped3A_421 = arith.constant 3 : i32
      %run_scoped3A_422 = arith.constant 1 : i32
      "tpu.region"() ({
        %run_scoped3A_428 = tpu.sem_alloc : memref<!tpu.dma_semaphore, #tpu.memory_space<semaphore_mem>>
        %dma_start3A_429 = arith.constant 0 : i32
        %dma_start3A_430 = arith.constant 0 : i32
        %dma_start3A_431 = tpu.memref_slice %arg7[%run_scoped3A_419, %dma_start3A_429, %dma_start3A_430] : memref<2x128x128xf32, #tpu.memory_space<vmem>> -> memref<1x128x128xf32, #tpu.memory_space<vmem>>
        %dma_start3A_432 = tpu.memref_squeeze %dma_start3A_431 : memref<1x128x128xf32, #tpu.memory_space<vmem>> -> memref<128x128xf32, #tpu.memory_space<vmem>>
        %dma_start3A_433 = arith.constant 0 : i32
        %dma_start3A_434 = arith.constant 0 : i32
        %dma_start3A_435 = arith.constant 0 : i32
        %dma_start3A_436 = tpu.memref_slice %arg6[%run_scoped3A_420, %dma_start3A_433, %dma_start3A_434, %dma_start3A_435] : memref<2x4x2x128xi32, #tpu.memory_space<vmem>> -> memref<1x4x2x128xi32, #tpu.memory_space<vmem>>
        %dma_start3A_437 = tpu.memref_squeeze %dma_start3A_436 : memref<1x4x2x128xi32, #tpu.memory_space<vmem>> -> memref<4x2x128xi32, #tpu.memory_space<vmem>>
        %dma_start3A_438 = arith.constant 0 : i32
        %dma_start3A_439 = arith.constant 0 : i32
        %dma_start3A_440 = tpu.memref_slice %dma_start3A_437[%run_scoped3A_421, %dma_start3A_438, %dma_start3A_439] : memref<4x2x128xi32, #tpu.memory_space<vmem>> -> memref<1x2x128xi32, #tpu.memory_space<vmem>>
        %dma_start3A_441 = tpu.memref_squeeze %dma_start3A_440 : memref<1x2x128xi32, #tpu.memory_space<vmem>> -> memref<2x128xi32, #tpu.memory_space<vmem>>
        %dma_start3A_442 = arith.constant 0 : i32
        %dma_start3A_443 = tpu.memref_slice %dma_start3A_441[%run_scoped3A_422, %dma_start3A_442] : memref<2x128xi32, #tpu.memory_space<vmem>> -> memref<1x128xi32, #tpu.memory_space<vmem>>
        %dma_start3A_444 = tpu.memref_squeeze %dma_start3A_443 : memref<1x128xi32, #tpu.memory_space<vmem>> -> memref<128xi32, #tpu.memory_space<vmem>>
        %dma_start3A_445 = arith.constant 0 : i32
        %dma_start3A_446 = arith.constant 0 : i32
        %dma_start3A_447 = tpu.memref_slice %arg5[%dma_start3A_445, %dma_start3A_446] : memref<10008x128xf32, #tpu.memory_space<vmem_shared>> -> memref<10008x128xf32, #tpu.memory_space<vmem_shared>>
        tpu.enqueue_indirect_dma source(%dma_start3A_432 : memref<128x128xf32, #tpu.memory_space<vmem>>) target(%dma_start3A_447 : memref<10008x128xf32, #tpu.memory_space<vmem_shared>>) offsets(%dma_start3A_444 : memref<128xi32, #tpu.memory_space<vmem>>) semaphore(%run_scoped3A_428 : memref<!tpu.dma_semaphore, #tpu.memory_space<semaphore_mem>>) {add = true}
        %dma_wait3A_448 = arith.constant 0 : i32
        %dma_wait3A_449 = arith.constant 0 : i32
        %dma_wait3A_450 = tpu.memref_slice %arg7[%run_scoped3A_419, %dma_wait3A_448, %dma_wait3A_449] : memref<2x128x128xf32, #tpu.memory_space<vmem>> -> memref<1x128x128xf32, #tpu.memory_space<vmem>>
        %dma_wait3A_451 = tpu.memref_squeeze %dma_wait3A_450 : memref<1x128x128xf32, #tpu.memory_space<vmem>> -> memref<128x128xf32, #tpu.memory_space<vmem>>
        %dma_wait3A_452 = arith.constant 0 : i32
        %dma_wait3A_453 = arith.constant 0 : i32
        %dma_wait3A_454 = arith.constant 0 : i32
        %dma_wait3A_455 = tpu.memref_slice %arg6[%run_scoped3A_420, %dma_wait3A_452, %dma_wait3A_453, %dma_wait3A_454] : memref<2x4x2x128xi32, #tpu.memory_space<vmem>> -> memref<1x4x2x128xi32, #tpu.memory_space<vmem>>
        %dma_wait3A_456 = tpu.memref_squeeze %dma_wait3A_455 : memref<1x4x2x128xi32, #tpu.memory_space<vmem>> -> memref<4x2x128xi32, #tpu.memory_space<vmem>>
        %dma_wait3A_457 = arith.constant 0 : i32
        %dma_wait3A_458 = arith.constant 0 : i32
        %dma_wait3A_459 = tpu.memref_slice %dma_wait3A_456[%run_scoped3A_421, %dma_wait3A_457, %dma_wait3A_458] : memref<4x2x128xi32, #tpu.memory_space<vmem>> -> memref<1x2x128xi32, #tpu.memory_space<vmem>>
        %dma_wait3A_460 = tpu.memref_squeeze %dma_wait3A_459 : memref<1x2x128xi32, #tpu.memory_space<vmem>> -> memref<2x128xi32, #tpu.memory_space<vmem>>
        %dma_wait3A_461 = arith.constant 0 : i32
        %dma_wait3A_462 = tpu.memref_slice %dma_wait3A_460[%run_scoped3A_422, %dma_wait3A_461] : memref<2x128xi32, #tpu.memory_space<vmem>> -> memref<1x128xi32, #tpu.memory_space<vmem>>
        %dma_wait3A_463 = tpu.memref_squeeze %dma_wait3A_462 : memref<1x128xi32, #tpu.memory_space<vmem>> -> memref<128xi32, #tpu.memory_space<vmem>>
        %dma_wait3A_464 = arith.constant 0 : i32
        %dma_wait3A_465 = arith.constant 0 : i32
        %dma_wait3A_466 = tpu.memref_slice %arg5[%dma_wait3A_464, %dma_wait3A_465] : memref<10008x128xf32, #tpu.memory_space<vmem_shared>> -> memref<10008x128xf32, #tpu.memory_space<vmem_shared>>
        tpu.wait_indirect_dma semaphore(%run_scoped3A_428 : memref<!tpu.dma_semaphore, #tpu.memory_space<semaphore_mem>>) src(%dma_wait3A_451 : memref<128x128xf32, #tpu.memory_space<vmem>>) dst(%dma_wait3A_466 : memref<10008x128xf32, #tpu.memory_space<vmem_shared>>)
        tpu.yield
      }) : () -> ()
      %lt3A_423 = arith.constant 9 : i32
      %lt3A_424 = arith.cmpi slt, %add3A_322, %lt3A_423 : i32
      %convert_element_type3A_425 = arith.extui %lt3A_424 : i1 to i32
      %cond3A_426 = arith.constant 0 : i32
      %cond3A_427 = arith.cmpi ne, %convert_element_type3A_425, %cond3A_426 : i32
      scf.if %cond3A_427 {
        %mul3A_428 = arith.constant 2 : i32
        %mul3A_429 = arith.muli %mul3A_428, %add3A_322 : i32
        %add3A_430 = arith.constant 3 : i32
        %add3A_431 = arith.addi %mul3A_429, %add3A_430 : i32
        %mul3A_432 = arith.constant 4 : i32
        %mul3A_433 = arith.muli %add3A_431, %mul3A_432 : i32
        %dma_start3A_434 = arith.constant 1 : i32
        %dma_start3A_435 = arith.constant 0 : i32
        %dma_start3A_436 = arith.constant 0 : i32
        %dma_start3A_437 = arith.constant 0 : i32
        %dma_start3A_438 = tpu.memref_slice %arg6[%dma_start3A_434, %dma_start3A_435, %dma_start3A_436, %dma_start3A_437] : memref<2x4x2x128xi32, #tpu.memory_space<vmem>> -> memref<1x4x2x128xi32, #tpu.memory_space<vmem>>
        %dma_start3A_439 = tpu.memref_squeeze %dma_start3A_438 : memref<1x4x2x128xi32, #tpu.memory_space<vmem>> -> memref<4x2x128xi32, #tpu.memory_space<vmem>>
        %dma_start3A_440 = arith.constant 0 : i32
        %dma_start3A_441 = arith.constant 0 : i32
        %dma_start3A_442 = arith.constant 0 : i32
        %dma_start3A_443 = tpu.memref_slice %arg3[%add3A, %dma_start3A_440, %dma_start3A_441, %dma_start3A_442] : memref<32x80x2x128xi32, #tpu.memory_space<hbm>> -> memref<1x80x2x128xi32, #tpu.memory_space<hbm>>
        %dma_start3A_444 = tpu.memref_squeeze %dma_start3A_443 : memref<1x80x2x128xi32, #tpu.memory_space<hbm>> -> memref<80x2x128xi32, #tpu.memory_space<hbm>>
        %dma_start3A_445 = arith.constant 0 : i32
        %dma_start3A_446 = arith.constant 0 : i32
        %dma_start3A_447 = tpu.memref_slice %dma_start3A_444[%mul3A_433, %dma_start3A_445, %dma_start3A_446] : memref<80x2x128xi32, #tpu.memory_space<hbm>> -> memref<4x2x128xi32, #tpu.memory_space<hbm>>
        %dma_start3A_448 = arith.constant 0 : i32
        %dma_start3A_449 = arith.constant 0 : i32
        %dma_start3A_450 = arith.constant 0 : i32
        %dma_start3A_451 = tpu.memref_slice %arg6[%dma_start3A_434, %dma_start3A_448, %dma_start3A_449, %dma_start3A_450] : memref<2x4x2x128xi32, #tpu.memory_space<vmem>> -> memref<1x4x2x128xi32, #tpu.memory_space<vmem>>
        %dma_start3A_452 = tpu.memref_squeeze %dma_start3A_451 : memref<1x4x2x128xi32, #tpu.memory_space<vmem>> -> memref<4x2x128xi32, #tpu.memory_space<vmem>>
        %dma_start3A_453 = arith.constant 0 : i32
        %dma_start3A_454 = arith.constant 0 : i32
        %dma_start3A_455 = arith.constant 0 : i32
        %dma_start3A_456 = tpu.memref_slice %arg3[%add3A, %dma_start3A_453, %dma_start3A_454, %dma_start3A_455] : memref<32x80x2x128xi32, #tpu.memory_space<hbm>> -> memref<1x80x2x128xi32, #tpu.memory_space<hbm>>
        %dma_start3A_457 = tpu.memref_squeeze %dma_start3A_456 : memref<1x80x2x128xi32, #tpu.memory_space<hbm>> -> memref<80x2x128xi32, #tpu.memory_space<hbm>>
        %dma_start3A_458 = arith.constant 0 : i32
        %dma_start3A_459 = arith.constant 0 : i32
        %dma_start3A_460 = tpu.memref_slice %dma_start3A_457[%mul3A_433, %dma_start3A_458, %dma_start3A_459] : memref<80x2x128xi32, #tpu.memory_space<hbm>> -> memref<4x2x128xi32, #tpu.memory_space<hbm>>
        tpu.enqueue_dma source(%dma_start3A_460 : memref<4x2x128xi32, #tpu.memory_space<hbm>>) target(%dma_start3A_452 : memref<4x2x128xi32, #tpu.memory_space<vmem>>) target_semaphore(%arg10 : memref<!tpu.dma_semaphore, #tpu.memory_space<semaphore_mem>>)
      } else {
      }
    }
    %scan3A_307 = arith.constant 10 : i32
    %barrier3A_308 = arith.constant 0 : index
    tpu.barrier barrier_id(%barrier3A_308)
    %mul3A_309 = arith.constant 624 : i32
    %mul3A_310 = arith.muli %arg1, %mul3A_309 : i32
    %mul3A_311 = arith.constant 624 : i32
    %mul3A_312 = arith.muli %arg1, %mul3A_311 : i32
    "tpu.region"() ({
      %run_scoped3A = tpu.sem_alloc : memref<!tpu.dma_semaphore, #tpu.memory_space<semaphore_mem>>
      %dma_start3A_318 = arith.constant 0 : i32
      %dma_start3A_319 = arith.constant 0 : i32
      %dma_start3A_320 = tpu.memref_slice %arg4[%arg0, %dma_start3A_318, %dma_start3A_319] : memref<2x10000x128xf32, #tpu.memory_space<hbm>> -> memref<1x10000x128xf32, #tpu.memory_space<hbm>>
      %dma_start3A_321 = tpu.memref_squeeze %dma_start3A_320 : memref<1x10000x128xf32, #tpu.memory_space<hbm>> -> memref<10000x128xf32, #tpu.memory_space<hbm>>
      %dma_start3A_322 = arith.constant 0 : i32
      %dma_start3A_323 = tpu.memref_slice %dma_start3A_321[%mul3A_312, %dma_start3A_322] : memref<10000x128xf32, #tpu.memory_space<hbm>> -> memref<624x128xf32, #tpu.memory_space<hbm>>
      %dma_start3A_324 = arith.constant 0 : i32
      %dma_start3A_325 = tpu.memref_slice %arg5[%mul3A_310, %dma_start3A_324] : memref<10008x128xf32, #tpu.memory_space<vmem_shared>> -> memref<624x128xf32, #tpu.memory_space<vmem_shared>>
      tpu.enqueue_dma source(%dma_start3A_325 : memref<624x128xf32, #tpu.memory_space<vmem_shared>>) target(%dma_start3A_323 : memref<624x128xf32, #tpu.memory_space<hbm>>) target_semaphore(%run_scoped3A : memref<!tpu.dma_semaphore, #tpu.memory_space<semaphore_mem>>)
      %dma_wait3A_326 = arith.constant 0 : i32
      %dma_wait3A_327 = arith.constant 0 : i32
      %dma_wait3A_328 = tpu.memref_slice %arg4[%arg0, %dma_wait3A_326, %dma_wait3A_327] : memref<2x10000x128xf32, #tpu.memory_space<hbm>> -> memref<1x10000x128xf32, #tpu.memory_space<hbm>>
      %dma_wait3A_329 = tpu.memref_squeeze %dma_wait3A_328 : memref<1x10000x128xf32, #tpu.memory_space<hbm>> -> memref<10000x128xf32, #tpu.memory_space<hbm>>
      %dma_wait3A_330 = arith.constant 0 : i32
      %dma_wait3A_331 = tpu.memref_slice %dma_wait3A_329[%mul3A_312, %dma_wait3A_330] : memref<10000x128xf32, #tpu.memory_space<hbm>> -> memref<624x128xf32, #tpu.memory_space<hbm>>
      %dma_wait3A_332 = arith.constant 0 : i32
      %dma_wait3A_333 = tpu.memref_slice %arg5[%mul3A_310, %dma_wait3A_332] : memref<10008x128xf32, #tpu.memory_space<vmem_shared>> -> memref<624x128xf32, #tpu.memory_space<vmem_shared>>
      tpu.wait_dma2 semaphore(%run_scoped3A : memref<!tpu.dma_semaphore, #tpu.memory_space<semaphore_mem>>) src(%dma_wait3A_333 : memref<624x128xf32, #tpu.memory_space<vmem_shared>>) dst(%dma_wait3A_331 : memref<624x128xf32, #tpu.memory_space<hbm>>)
      tpu.yield
    }) : () -> ()
    %eq3A_313 = arith.constant 15 : i32
    %eq3A_314 = arith.cmpi eq, %arg1, %eq3A_313 : i32
    %convert_element_type3A_315 = arith.extui %eq3A_314 : i1 to i32
    %cond3A_316 = arith.constant 0 : i32
    %cond3A_317 = arith.cmpi ne, %convert_element_type3A_315, %cond3A_316 : i32
    scf.if %cond3A_317 {
      "tpu.region"() ({
        %run_scoped3A = tpu.sem_alloc : memref<!tpu.dma_semaphore, #tpu.memory_space<semaphore_mem>>
        %dma_start3A_318 = arith.constant 0 : i32
        %dma_start3A_319 = arith.constant 0 : i32
        %dma_start3A_320 = tpu.memref_slice %arg4[%arg0, %dma_start3A_318, %dma_start3A_319] : memref<2x10000x128xf32, #tpu.memory_space<hbm>> -> memref<1x10000x128xf32, #tpu.memory_space<hbm>>
        %dma_start3A_321 = tpu.memref_squeeze %dma_start3A_320 : memref<1x10000x128xf32, #tpu.memory_space<hbm>> -> memref<10000x128xf32, #tpu.memory_space<hbm>>
        %dma_start3A_322 = arith.constant 9984 : i32
        %dma_start3A_323 = arith.constant 0 : i32
        %dma_start3A_324 = tpu.memref_slice %dma_start3A_321[%dma_start3A_322, %dma_start3A_323] : memref<10000x128xf32, #tpu.memory_space<hbm>> -> memref<16x128xf32, #tpu.memory_space<hbm>>
        %dma_start3A_325 = arith.constant 9984 : i32
        %dma_start3A_326 = arith.constant 0 : i32
        %dma_start3A_327 = tpu.memref_slice %arg5[%dma_start3A_325, %dma_start3A_326] : memref<10008x128xf32, #tpu.memory_space<vmem_shared>> -> memref<16x128xf32, #tpu.memory_space<vmem_shared>>
        tpu.enqueue_dma source(%dma_start3A_327 : memref<16x128xf32, #tpu.memory_space<vmem_shared>>) target(%dma_start3A_324 : memref<16x128xf32, #tpu.memory_space<hbm>>) target_semaphore(%run_scoped3A : memref<!tpu.dma_semaphore, #tpu.memory_space<semaphore_mem>>)
        %dma_wait3A_328 = arith.constant 0 : i32
        %dma_wait3A_329 = arith.constant 0 : i32
        %dma_wait3A_330 = tpu.memref_slice %arg4[%arg0, %dma_wait3A_328, %dma_wait3A_329] : memref<2x10000x128xf32, #tpu.memory_space<hbm>> -> memref<1x10000x128xf32, #tpu.memory_space<hbm>>
        %dma_wait3A_331 = tpu.memref_squeeze %dma_wait3A_330 : memref<1x10000x128xf32, #tpu.memory_space<hbm>> -> memref<10000x128xf32, #tpu.memory_space<hbm>>
        %dma_wait3A_332 = arith.constant 9984 : i32
        %dma_wait3A_333 = arith.constant 0 : i32
        %dma_wait3A_334 = tpu.memref_slice %dma_wait3A_331[%dma_wait3A_332, %dma_wait3A_333] : memref<10000x128xf32, #tpu.memory_space<hbm>> -> memref<16x128xf32, #tpu.memory_space<hbm>>
        %dma_wait3A_335 = arith.constant 9984 : i32
        %dma_wait3A_336 = arith.constant 0 : i32
        %dma_wait3A_337 = tpu.memref_slice %arg5[%dma_wait3A_335, %dma_wait3A_336] : memref<10008x128xf32, #tpu.memory_space<vmem_shared>> -> memref<16x128xf32, #tpu.memory_space<vmem_shared>>
        tpu.wait_dma2 semaphore(%run_scoped3A : memref<!tpu.dma_semaphore, #tpu.memory_space<semaphore_mem>>) src(%dma_wait3A_337 : memref<16x128xf32, #tpu.memory_space<vmem_shared>>) dst(%dma_wait3A_334 : memref<16x128xf32, #tpu.memory_space<hbm>>)
        tpu.yield
      }) : () -> ()
    } else {
    }
    return
  }
}

module attributes {stable_mosaic.version = 14 : i64} {
  func.func @_add_partials(%arg0: i32, %arg1: memref<2x1000x128xf32, #tpu.memory_space<vmem>>, %arg2: memref<1000x128xf32, #tpu.memory_space<vmem>>) attributes {dimension_semantics = [#tpu.dimension_semantics<arbitrary>], iteration_bounds = array<i64: 10>, scalar_prefetch = 0 : i64, scratch_operands = 0 : i64, tpu.core_type = #tpu.core_type<tc>, window_params = [{transform_indices = @transform_0, window_bounds = array<i64: 2, 1000, 128>}, {transform_indices = @transform_1, window_bounds = array<i64: 1000, 128>}]} {
    %get3A = arith.constant 0 : index
    %get3A_0 = arith.constant 0 : index
    %get3A_1 = arith.constant 0 : index
    %get3A_2 = vector.load %arg1[%get3A, %get3A_0, %get3A_1] : memref<2x1000x128xf32, #tpu.memory_space<vmem>>, vector<1x1000x128xf32>
    %get3A_3 = vector.shape_cast %get3A_2 : vector<1x1000x128xf32> to vector<1000x128xf32>
    %get3A_4 = arith.constant 1 : index
    %get3A_5 = arith.constant 0 : index
    %get3A_6 = arith.constant 0 : index
    %get3A_7 = vector.load %arg1[%get3A_4, %get3A_5, %get3A_6] : memref<2x1000x128xf32, #tpu.memory_space<vmem>>, vector<1x1000x128xf32>
    %get3A_8 = vector.shape_cast %get3A_7 : vector<1x1000x128xf32> to vector<1000x128xf32>
    %add3A = arith.addf %get3A_3, %get3A_8 : vector<1000x128xf32>
    %swap3A = arith.constant 0 : index
    %swap3A_9 = arith.constant 0 : index
    %swap3A_10 = vector.load %arg2[%swap3A, %swap3A_9] : memref<1000x128xf32, #tpu.memory_space<vmem>>, vector<1000x128xf32>
    tpu.vector_store %arg2[%swap3A, %swap3A_9], %add3A {strides = array<i32>} : memref<1000x128xf32, #tpu.memory_space<vmem>>, vector<1000x128xf32>,
    return
  }
  func.func @transform_0(%arg0: i32) -> (i32, i32, i32) {
    %c0_i32 = arith.constant 0 : i32
    %c0_i32_0 = arith.constant 0 : i32
    %c0_i32_1 = arith.constant 0 : i32
    return %c0_i32, %arg0, %c0_i32_0 : i32, i32, i32
  }
  func.func @transform_1(%arg0: i32) -> (i32, i32) {
    %c0_i32 = arith.constant 0 : i32
    %c0_i32_0 = arith.constant 0 : i32
    return %arg0, %c0_i32 : i32, i32
  }
}

</mosaic_0001>

<sc_bundles>
// kernel: kernel.4.cloned.1.call-start
scs
__scs_entry_jumppad:
0x0: {  	(pc) =	sbr.rel $0x88, $3  }
0x1: {  	(tag) =	ssettag $0x0;
	lr =	simm.s32 $0x1  }
0x2: {  	[smem:$0x3F9F] =	sst lr;
	_ =	strace $0xD0000000  }
0x3: {  	_ = 	snop  }
0x4: {  	_ = 	snop  }
0x5: {  	_ = 	snop  }
0x6: {  	_ = 	snop  }
0x7: {  	_ = 	snop  }
__scs_overlays_trampoline_lowered:
0x8: {  	[smem:$0x3FAE] =	sst s0  }
0x9: {  	[smem:$0x3FAF] =	sst s1  }
0xa: {  	[smem:$0x3FB0] =	sst s2  }
0xb: {  	[smem:$0x3FB1] =	sst s3  }
0xc: {  	[smem:$0x3FB2] =	sst s4  }
0xd: {  	[smem:$0x3FB3] =	sst s5  }
0xe: {  	[smem:$0x3FB4] =	sst s6  }
0xf: {  	[smem:$0x3FB5] =	sst s7  }
0x10: {  	[smem:$0x3FB6] =	sst s8  }
0x11: {  	[smem:$0x3FB7] =	sst s9;
	s0 =	simm.s32 @!p0 $0x0  }
0x12: {  	s1 =	sld [smem:$0x3F9D];
	s0 =	simm.s32 @p0 $0x1  }
0x13: {  	[smem:$0x3FB8] =	sst s0;
	s0 =	simm.s32 @!p1 $0x0  }
0x14: {  	s2 =	sld [smem:$0x3F9C];
	s0 =	simm.s32 @p1 $0x1  }
0x15: {  	[smem:$0x3FB9] =	sst s0;
	s0 =	simm.s32 @!p2 $0x0  }
0x16: {  	s3 =	sld [smem:$0x3FDB];
	s0 =	simm.s32 @p2 $0x1  }
0x17: {  	s4 =	simm.s32 $0x1BF5;
	[smem:$0x3FBB] =	sst s0  }
0x18: {  	s0 =	sld [smem:$0x3F9E];
	_ =	swait.ge [sflag:s4], $0x0  }
0x19: {  	s7 =	sld [smem:$0x3F9F]  }
0x1a: {  	s8 =	sadd.s32 $0xFFFFE003, lr  }
0x1b: {  	s9 =	sadd.s32 $0xFFFFFEF7, lr;
	s5 =	simm.s32 $0xFFFFFFFF;
	p2 =	slt.u32 s8, $0xFFFFF086  }
0x1c: {  	p1 =	slt.u32 s9, $0xF7A;
	s5 =	simm.s32 @!p2 $0x0  }
0x1d: {  	s5 =	simm.s32 @p1 $0x1;
	p0 =	seq.s32 s7, s2  }
0x1e: {  	s7 =	smul.u32 @!p0 $0xF7A, s2;
	p2 =	seq.s32 @!p0 s5, $0x0  }
0x1f: {  	s9 =	smul.u32 $0xF7A, s1;
	s8 =	simm.s32 @!p0 $0x1BF5;
	p2 =	por !p2, p0  }
0x20: {  	[sflag:s8] =	ssyncset.s32 @!p0 $0xFFFFF086;
	s6 =	sadd.s32 @!p0 s3, s7;
	s7 =	simm.s32 @!p0 $0x108  }
0x21: {  	s3 =	sadd.s32 s3, s9;
	s6 =	sadd.s32 @!p0 $0x88, s6;
	s7 =	simm.s32 @p2 $0x1082  }
0x22: {  	[simem:s7], [sflag:s8] =	dma.local @!p0 [hbm:s6], $0xF7A  }
0x23: {  	s9 =	sor.u32 $0xD0000000, s2;
	s6 =	simm.s32 $0x108;
	_ =	swait.ge @!p0 [sflag:s8], $0x0  }
0x24: {  	s3 =	sadd.s32 $0x88, s3;
	s6 =	simm.s32 @!p1 $0x1082;
	[sflag:s4] =	ssyncset.s32 $0xFFFFF086  }
0x25: {  	[simem:s6], [sflag:s4] =	dma.local [hbm:s3], $0xF7A  }
0x26: {  	[smem:$0x3F9F] =	sst s1;
	(tag) =	ssettag s2;
	_ =	strace s9  }
0x27: {  	s1 =	sld [smem:$0x3FAF]  }
0x28: {  	s2 =	sld [smem:$0x3FB0]  }
0x29: {  	s4 =	sld [smem:$0x3FB2]  }
0x2a: {  	p0 =	seq.s32 s5, $0x0;
	s5 =	sld [smem:$0x3FB3]  }
0x2b: {  	s6 =	sld [smem:$0x3FB4]  }
0x2c: {  	s7 =	sld [smem:$0x3FB5]  }
0x2d: {  	s3 =	simm.s32 $0x108;
	s8 =	sld [smem:$0x3FB6]  }
0x2e: {  	s3 =	simm.s32 @!p0 $0x1082;
	s9 =	sld [smem:$0x3FB7]  }
0x2f: {  	lr =	sadd.s32 s0, s3;
	s0 =	sld [smem:$0x3FAE]  }
0x30: {  	s3 =	sld [smem:$0x3FB1]  }
0x31: {  	[smem:$0x3FBA] =	sst s10  }
0x32: {  	s10 =	sld [smem:$0x3FB8];
	_ =	sdelay $0x3  }
0x33: {  	p0 =	seq.s32 s10, $0x1;
	s10 =	sld [smem:$0x3FBA];
	_ =	sdelay $0x3  }
0x34: {  	[smem:$0x3FBA] =	sst s10  }
0x35: {  	s10 =	sld [smem:$0x3FB9];
	_ =	sdelay $0x3  }
0x36: {  	p1 =	seq.s32 s10, $0x1;
	s10 =	sld [smem:$0x3FBA];
	_ =	sdelay $0x3  }
0x37: {  	[smem:$0x3FBA] =	sst s10  }
0x38: {  	s10 =	sld [smem:$0x3FBB]  }
0x39: {  	_ = 	snop;
	(pc) =	sbr.ind lr, $3  }
0x3a: {  	_ = 	snop  }
0x3b: {  	_ = 	snop  }
0x3c: {  	p2 =	seq.s32 s10, $0x1;
	s10 =	sld [smem:$0x3FBA]  }
0x3d: {  	_ =	shalt  }
0x3e: {  	_ =	shalt  }
0x3f: {  	_ =	shalt  }
0x40: {  	_ =	shalt  }
0x41: {  	_ =	shalt  }
0x42: {  	_ =	shalt  }
0x43: {  	_ =	shalt  }
0x44: {  	_ =	shalt  }
0x45: {  	_ =	shalt  }
0x46: {  	_ =	shalt  }
0x47: {  	_ =	shalt  }
0x48: {  	_ =	shalt  }
0x49: {  	_ =	shalt  }
0x4a: {  	_ =	shalt  }
0x4b: {  	_ =	shalt  }
0x4c: {  	_ =	shalt  }
0x4d: {  	_ =	shalt  }
0x4e: {  	_ =	shalt  }
0x4f: {  	_ =	shalt  }
0x50: {  	_ =	shalt  }
0x51: {  	_ =	shalt  }
0x52: {  	_ =	shalt  }
0x53: {  	_ =	shalt  }
0x54: {  	_ =	shalt  }
0x55: {  	_ =	shalt  }
0x56: {  	_ =	shalt  }
0x57: {  	_ =	shalt  }
0x58: {  	_ =	shalt  }
0x59: {  	_ =	shalt  }
0x5a: {  	_ =	shalt  }
0x5b: {  	_ =	shalt  }
0x5c: {  	_ =	shalt  }
0x5d: {  	_ =	shalt  }
0x5e: {  	_ =	shalt  }
0x5f: {  	_ =	shalt  }
0x60: {  	_ =	shalt  }
0x61: {  	_ =	shalt  }
0x62: {  	_ =	shalt  }
0x63: {  	_ =	shalt  }
0x64: {  	_ =	shalt  }
0x65: {  	_ =	shalt  }
0x66: {  	_ =	shalt  }
0x67: {  	_ =	shalt  }
0x68: {  	_ =	shalt  }
0x69: {  	_ =	shalt  }
0x6a: {  	_ =	shalt  }
0x6b: {  	_ =	shalt  }
0x6c: {  	_ =	shalt  }
0x6d: {  	_ =	shalt  }
0x6e: {  	_ =	shalt  }
0x6f: {  	_ =	shalt  }
0x70: {  	_ =	shalt  }
0x71: {  	_ =	shalt  }
0x72: {  	_ =	shalt  }
0x73: {  	_ =	shalt  }
0x74: {  	_ =	shalt  }
0x75: {  	_ =	shalt  }
0x76: {  	_ =	shalt  }
0x77: {  	_ =	shalt  }
0x78: {  	_ =	shalt  }
0x79: {  	_ =	shalt  }
0x7a: {  	_ =	shalt  }
0x7b: {  	_ =	shalt  }
0x7c: {  	_ =	shalt  }
0x7d: {  	_ =	shalt  }
0x7e: {  	_ =	shalt  }
0x7f: {  	_ =	shalt  }
0x80: {  	_ =	shalt  }
0x81: {  	_ =	shalt  }
0x82: {  	_ =	shalt  }
0x83: {  	_ =	shalt  }
0x84: {  	_ =	shalt  }
0x85: {  	_ =	shalt  }
0x86: {  	_ =	shalt  }
0x87: {  	_ =	shalt  }
.Lfunc_end0:
.L_simem_size_0:
called_computation_lowered:
.L_overlay_start_0:
0x88: {  	s2 =	sld [smem:$0x3FD9]  }
0x89: {  	s3 =	sld [smem:$0x3FFE];
	_ =	sdelay $0x1  }
0x8a: {  	s1 =	srdreg.scid  }
0x8b: {  	s0 =	sand.u32 $0x1, s1  }
0x8c: {  	s17 =	sshll.u32 s0, $0xA;
	s2 =	sadd.s32 s3, s2  }
0x8d: {  	s2 =	sadd.s32 s2, s17  }
0x8e: {  	[smem:$0x3FC6] =	sst s2  }
0x8f: {  	_ = 	snop  }
0x90: {  	s2 =	sld [smem:$0x3FC9]  }
0x91: {  	s18 =	sld [smem:$0x3FD0];
	(tm) =	ssettm $0x1  }
0x92: {  	s4 =	sld [smem:$0x3FFB];
	_ =	sdelay $0x3  }
0x93: {  	_ =	strace s4  }
0x94: {  	s4 =	sld [smem:$0x3FFC];
	_ =	sdelay $0x3  }
0x95: {  	_ =	strace s4  }
0x96: {  	s4 =	sld [smem:$0x3FFD];
	_ =	sdelay $0x3  }
0x97: {  	_ =	strace s4  }
0x98: {  	_ =	strace $0x8FFFFFFF  }
0x99: {  	s19 =	sld [smem:$0x3FDB];
	_ =	sdelay $0x1  }
0x9a: {  	s5 =	simm.s32 $_scs_section_size  }
0x9b: {  	s6 =	simm.s32 $_size__tile_overlayer_lowered;
	s7 =	simm.s32 $_tile_overlayer_lowered  }
0x9c: {  	s22 =	simm.s32 $0x1BFF;
	s21 =	sshll.u32 s7, $0x1;
	s4 =	sadd.s32 s5, s19  }
0x9d: {  	s8 =	simm.s32 $0x0;
	s20 =	sshll.u32 s6, $0x1;
	s6 =	sadd.s32 s21, s4  }
0x9e: {  	[timem:s8], [sflag:s22] =	dma.local [hbm:s6], s20  }
0x9f: {  	_ =	swait.ge [sflag:s22], s20  }
0xa0: {  	s5 =	ssub.s32 $0x0, s20;
	[sflag:s22] =	ssyncset.done $0x0  }
0xa1: {  	[sflag:s22] =	ssyncadd.s32 s5;
	_ =	sdelay $0x1  }
0xa2: {  	s23 =	simm.s32 $0x1B8B  }
0xa3: {  	_ =	swait.ge [sflag:s23], $0x1  }
0xa4: {  	[sflag:s23] =	ssyncset.done $0x0  }
0xa5: {  	s25 =	simm.s32 $0x1B8E;
	s24 =	sld [smem:$0x3FFE];
	[sflag:s23] =	ssyncadd.s32 $0xFFFFFFFF  }
0xa6: {  	s26 =	simm.s32 $execute0_lowered;
	[smem:$0x3FD2] =	sst s25  }
0xa7: {  	s6 =	sshll.u32 s26, $0x1;
	_ =	strace $0x80000046;
	[dreg:$0x1] =	wrdreg $0xFFFFFFFF  }
0xa8: {  	s28 =	simm.s32 $_size_execute0_lowered;
	s4 =	sadd.s32 s4, s6;
	[dreg:$0x0] =	wrdreg $0x0  }
0xa9: {  	s6 =	sshll.u32 s28, $0x1;
	[dreg:$0x2] =	wrdreg s4  }
0xaa: {  	[dreg:$0x3] =	wrdreg s6  }
0xab: {  	[dreg:$0x4] =	wrdreg $0xC0  }
0xac: {  	_ =	task [dreg:s8], $0x5FFFF  }
0xad: {  	[dreg:$0x1] =	wrdreg $0xFFFFFFFF  }
0xae: {  	[dreg:$0x0] =	wrdreg $0x60  }
0xaf: {  	[dreg:$0x2] =	wrdreg s2  }
0xb0: {  	[dreg:$0x3] =	wrdreg s18  }
0xb1: {  	[dreg:$0x4] =	wrdreg s24  }
0xb2: {  	[dreg:$0x5] =	wrdreg $0x0  }
0xb3: {  	[dreg:$0x6] =	wrdreg $0x9  }
0xb4: {  	_ =	task.clear_ibuf [dreg:s8], $0x7FFFF;
	_ =	strace $0x90000046  }
0xb5: {  	s29 =	simm.s32 $0x9;
	_ =	strace $0x80000048  }
0xb6: {  	_ =	swait.ge [sflag:s29], $0x1  }
0xb7: {  	[sflag:s29] =	ssyncadd.s32 $0xFFFFFFFF  }
0xb8: {  	_ =	strace $0x90000048  }
0xb9: {  	_ =	sfence  }
0xba: {  	s30 =	sld [smem:$0x0];
	_ =	sdelay $0x2  }
0xbb: {  	s31 =	sshll.u32 s1, $0xD;
	s1 =	sshrl.u32 s1, $0x2  }
0xbc: {  	s3 =	sand.u32 $0x4000, s31;
	s1 =	sadd.s32 s1, s30  }
0xbd: {  	s0 =	sor.u32 s3, s0;
	s1 =	sshll.u32 s1, $0x11  }
0xbe: {  	s0 =	sor.u32 s1, s0  }
0xbf: {  	s0 =	sadd.s32 $0x8F2B, s0  }
0xc0: {  	[sflag:s0] =	ssyncadd.remote.s32 $0x1  }
0xc1: {  	_ =	sfence.sel $0xFFFF  }
0xc2: {  	[dreg:$0x0] =	wrdreg $0xFFFFFFFF;
	(pc) =	sbr.abs _section_cstart, $3  }
0xc3: {  	[dreg:$0x1] =	wrdreg $0xFFFFFFFF  }
0xc4: {  	_ =	task.clear_ibuf [dreg:s8], $0x2FFFF;
	_ =	strace $0x9FFFFFFF  }
0xc5: {  	(tm) =	ssettm $0x7FFFFFFF  }
tec
execute0_lowered:
.L_overlay_start_1:
0x0: {  	(tag) =	ssettag $0x1  }
0x1: {  	s0 =	rddreg [dreg:$0x0]  }
0x2: {  	s2 =	rddreg [dreg:$0x1]  }
0x3: {  	s1 =	srdreg.scid;
	s6 =	rddreg [dreg:$0x2]  }
0x4: {  	s10 =	stileid.u32;
	s3 =	rddreg [dreg:$0x3];
	s20 =	simm.s32 $0x80  }
0x5: {  	s21 =	simm.s32 $0x4;
	s22 =	simm.s32 $0x13940;
	s23 =	simm.s32 $0x139C0  }
0x6: {  	s24 =	simm.s32 $0x13A40;
	s28 =	simm.s32 $0x13B40;
	s29 =	simm.s32 $0x13BC0  }
0x7: {  	s30 =	simm.s32 $0x13C40;
	s31 =	simm.s32 $0x3;
	s11 =	simm.s32 $0x14040  }
0x8: {  	s1 =	sand.u32 $0x1, s1;
	s8 =	smul.u32 $0x4E000, s10;
	s18 =	sadd.s32 $0x138000, s3  }
0x9: {  	s25 =	smul.u32 $0x2700, s10;
	p0 =	sne.s32 s10, $0xF;
	s4 =	sshll.u32 s1, $0x4  }
0xa: {  	s7 =	ssub.s32 $0x2, s1;
	s1 =	smul.u32 $0x27100, s1;
	s5 =	sor.u32 s10, s4  }
0xb: {  	s4 =	simm.s32 $0x0;
	s9 =	sshrl.u32 s7, $0x1;
	s13 =	sshrl.u32 s8, $0x2  }
0xc: {  	s8 =	simm.s32 $0x13EC0;
	s10 =	simm.s32 $0x13FC0;
	s5 =	smul.u32 $0xA00, s5  }
0xd: {  	[smem:$0x7FF] =	sst s4;
	s9 =	ssub.s32 s7, s9;
	s7 =	sadd.s32 s13, s3  }
0xe: {  	s19 =	sadd.s32 s6, s1;
	s6 =	simm.s32 $0x13E40;
	_ =	strace $0x80000047  }
0xf: {  	s15 =	sadd.s32 $0x8000, s7;
	s16 =	sadd.s32 $0xC000, s7;
	[dreg:$0xa] =	wrdreg s18  }
0x10: {  	s17 =	sadd.s32 $0x10000, s7;
	s26 =	smax.u32 s9, $0x1;
	[dreg:$0xb] =	wrdreg s19  }
0x11: {  	s18 =	simm.s32 $0x1;
	s1 =	sadd.s32 s25, s19;
	[dreg:$0x7] =	wrdreg s15  }
0x12: {  	s9 =	simm.s32 $0x13F40;
	s5 =	sadd.s32 s2, s5;
	[dreg:$0x8] =	wrdreg s16  }
.Ltmp0:
0x13: {  	s2 =	sadd.s32 $0x4000, s7;
	[dreg:$0x9] =	wrdreg s17;
	(pc) =	sbr.rel .LBB2_1-.Ltmp0, $4  }
0x14: {  	[dreg:$0xc] =	wrdreg s26;
	s15 =	simm.s32 $0x138C0;
	s16 =	simm.s32 $0x13CC0  }
0x15: {  	s17 =	simm.s32 $0x140C0;
	[dreg:$0xd] =	wrdreg s1;
	s26 =	simm.s32 $0x13AC0  }
0x16: {  	s1 =	simm.s32 $0x13DC0;
	s14 =	sadd.s32 $0x80, s5;
	[dreg:$0x6] =	wrdreg s2  }
0x17: {  	v0 =	vimm.f32 $0.0e+00;
	s2 =	simm.s32 $0x13D40;
	[dreg:$0x5] =	wrdreg s14;
	s14 =	simm.s32 $0x0  }
.LBB2_6:
0x18: {  	s12 =	stileid.u32  }
0x19: {  	[bflag:$0x0] =	sbarrier.arrive $0xFFFF;
	s12 =	sshll.u32 s12, $0x6  }
0x1a: {  	s13 =	sshrl.u32 s7, $0x3;
	s19 =	rddreg [dreg:$0xd];
	s12 =	sor.u32 $0x1C04, s12  }
0x1b: {  	[hbm:s19], [sflag:s12] =	dma.local [spmem:s13], $0x2700  }
0x1c: {  	_ =	swait.ge [sflag:s21], $0x2700  }
0x1d: {  	s13 =	rddreg [dreg:$0xb]  }
0x1e: {  	[sflag:s21] =	ssyncset.done $0x0;
	s19 =	rddreg [dreg:$0xa]  }
0x1f: {  	[sflag:s21] =	ssyncadd.s32 $0xFFFFD900;
	s13 =	sadd.s32 @!p0 $0x27000, s13;
	s19 =	sshrl.u32 @!p0 s19, $0x3  }
0x20: {  	[hbm:s13], [sflag:s12] =	dma.local @!p0 [spmem:s19], $0x100  }
0x21: {  	s12 =	simm.s32 @!p0 $0x4  }
0x22: {  	_ =	swait.ge @!p0 [sflag:s12], $0x100  }
0x23: {  	s14 =	sadd.s32 $0x1, s14;
	s25 =	rddreg [dreg:$0xc]  }
0x24: {  	p1 =	sne.s32 s14, s25  }
.Ltmp1:
0x25: {  	_ = 	snop;
	(pc) =	sbr.rel @!p1 .LBB2_7-.Ltmp1, $3  }
0x26: {  	_ =	sdelay $0x1  }
0x27: {  	[sflag:s12] =	ssyncset.done @!p0 $0x0  }
0x28: {  	[sflag:s12] =	ssyncadd.s32 @!p0 $0xFFFFFF00  }
.LBB2_1:
0x29: {  	[tilespmem:s15], [sflag:$0x2] =	stream.linear.gather [hbm4b:s5+s4], $0x400, $0x38;
	[tilespmem:$0x1C0C0] =	vst v63  }
0x2a: {  	s12 =	rddreg [dreg:$0x5];
	s13 =	simm.s32 $0x0;
	s25 =	simm.s32 $0x200  }
0x2b: {  	[tilespmem:s16], [sflag:$0x3] =	stream.linear.gather [hbm4b:s12+s4], $0x400, $0x38;
	[tilespmem:$0x1C0C0] =	vst v63  }
.LBB2_2:
0x2c: {  	p1 =	sne.s32 s25, $0xFE00;
	[tilespmem:s13+$0x14130] =	vst v0  }
0x2d: {  	[tilespmem:s13+$0x140C0] =	vst v0  }
0x2e: {  	[tilespmem:s13+$0x140D0] =	vst v0  }
.Ltmp2:
0x2f: {  	[tilespmem:s13+$0x140E0] =	vst v0;
	(pc) =	sbr.rel @p1 .LBB2_2-.Ltmp2, $4  }
0x30: {  	[tilespmem:s13+$0x140F0] =	vst v0  }
0x31: {  	[tilespmem:s13+$0x14100] =	vst v0  }
0x32: {  	[tilespmem:s13+$0x14110] =	vst v0  }
0x33: {  	[tilespmem:s13+$0x14120] =	vst v0;
	s13 =	sshra.s32 s25, $0x2;
	s25 =	sadd.s32 $0x200, s25  }
0x34: {  	[tilespmem:s13+$0x14130] =	vst v0  }
0x35: {  	[tilespmem:s13+$0x140C0] =	vst v0  }
0x36: {  	[tilespmem:s13+$0x140D0] =	vst v0  }
0x37: {  	[tilespmem:s13+$0x140E0] =	vst v0  }
0x38: {  	[tilespmem:s13+$0x140F0] =	vst v0  }
0x39: {  	[tilespmem:s13+$0x14100] =	vst v0  }
0x3a: {  	[tilespmem:s13+$0x14110] =	vst v0  }
0x3b: {  	[tilespmem:s13+$0x14120] =	vst v0  }
0x3c: {  	[spmem:s7] =	stream.linear.scatter [tilespmem:s17], [sflag:$0x1], $0x4000, $0x38;
	[tilespmem:$0x1C0C0] =	vst v63  }
0x3d: {  	s12 =	rddreg [dreg:$0x6]  }
0x3e: {  	[spmem:s12] =	stream.linear.scatter [tilespmem:s17], [sflag:$0x1], $0x4000, $0x38;
	[tilespmem:$0x1C0C0] =	vst v63  }
0x3f: {  	s25 =	rddreg [dreg:$0x7]  }
0x40: {  	[spmem:s25] =	stream.linear.scatter [tilespmem:s17], [sflag:$0x1], $0x4000, $0x38;
	[tilespmem:$0x1C0C0] =	vst v63  }
0x41: {  	s13 =	rddreg [dreg:$0x8]  }
0x42: {  	[spmem:s13] =	stream.linear.scatter [tilespmem:s17], [sflag:$0x1], $0x4000, $0x38;
	[tilespmem:$0x1C0C0] =	vst v63  }
0x43: {  	s19 =	rddreg [dreg:$0x9]  }
0x44: {  	[spmem:s19] =	stream.linear.scatter [tilespmem:s17], [sflag:$0x1], $0x3800, $0x38;
	[tilespmem:$0x1C0C0] =	vst v63  }
0x45: {  	s12 =	rddreg [dreg:$0xa];
	s13 =	simm.s32 @!p0 $0x140C0  }
0x46: {  	[spmem:s12] =	stream.linear.scatter @!p0 [tilespmem:s13], [sflag:$0x1], $0x800, $0x38;
	[tilespmem:$0x1C0C0] =	vst v63  }
0x47: {  	s13 =	simm.s32 @!p0 $0x1  }
0x48: {  	_ =	swait.ge @!p0 [sflag:s13], $0x800  }
0x49: {  	[sflag:s13] =	ssyncset.done @!p0 $0x0  }
0x4a: {  	[sflag:s13] =	ssyncadd.s32 @!p0 $0xFFFFF800  }
0x4b: {  	_ =	swait.ge [sflag:s18], $0x4000  }
0x4c: {  	[sflag:s18] =	ssyncset.done $0x0  }
0x4d: {  	[sflag:s18] =	ssyncadd.s32 $0xFFFFC000  }
0x4e: {  	_ =	swait.ge [sflag:s18], $0x4000  }
0x4f: {  	[sflag:s18] =	ssyncset.done $0x0  }
0x50: {  	[sflag:s18] =	ssyncadd.s32 $0xFFFFC000  }
0x51: {  	_ =	swait.ge [sflag:s18], $0x4000  }
0x52: {  	[sflag:s18] =	ssyncset.done $0x0  }
0x53: {  	[sflag:s18] =	ssyncadd.s32 $0xFFFFC000  }
0x54: {  	_ =	swait.ge [sflag:s18], $0x4000  }
0x55: {  	[sflag:s18] =	ssyncset.done $0x0  }
0x56: {  	[sflag:s18] =	ssyncadd.s32 $0xFFFFC000  }
0x57: {  	_ =	swait.ge [sflag:s18], $0x3800  }
0x58: {  	[sflag:s18] =	ssyncset.done $0x0  }
0x59: {  	s25 =	simm.s32 $0x2;
	[sflag:s18] =	ssyncadd.s32 $0xFFFFC800  }
0x5a: {  	_ =	swait.ge [sflag:s25], $0x400  }
0x5b: {  	[sflag:s25] =	ssyncset.done $0x0  }
0x5c: {  	[sflag:s25] =	ssyncadd.s32 $0xFFFFFC00  }
0x5d: {  	s13 =	simm.s32 $0x0;
	[bflag:$0x0] =	sbarrier.arrive $0xFFFF  }
.LBB2_4:
0x5e: {  	p1 =	seq.s32 s13, $0x0  }
0x5f: {  	s25 =	simm.s32 @!p1 $0x2  }
0x60: {  	_ =	swait.ge @!p1 [sflag:s25], $0x400  }
0x61: {  	[sflag:s25] =	ssyncset.done @!p1 $0x0  }
0x62: {  	[sflag:s25] =	ssyncadd.s32 @!p1 $0xFFFFFC00  }
0x63: {  	[tilespmem:s17], [sflag:$0x4] =	stream.indirect.gather [hbm4b:s0+s20], $0x80, s15, s20, $0xb8;
	[tilespmem:$0x1C0C0] =	vst v63  }
0x64: {  	_ =	swait.ge [sflag:s21], $0x4000  }
0x65: {  	[sflag:s21] =	ssyncset.done $0x0  }
0x66: {  	[sflag:s21] =	ssyncadd.s32 $0xFFFFC000  }
0x67: {  	[spmem:s3] =	stream.indirect.scatter.add.f32 [tilespmem:s17], [sflag:$0x4], $0x80, s22, s20, $0xb8;
	[tilespmem:$0x1C0C0] =	vst v63  }
0x68: {  	_ =	swait.ge [sflag:s21], $0x4000  }
0x69: {  	[sflag:s21] =	ssyncset.done $0x0  }
0x6a: {  	[sflag:s21] =	ssyncadd.s32 $0xFFFFC000  }
0x6b: {  	[tilespmem:s17], [sflag:$0x4] =	stream.indirect.gather [hbm4b:s0+s20], $0x80, s23, s20, $0xb8;
	[tilespmem:$0x1C0C0] =	vst v63  }
0x6c: {  	_ =	swait.ge [sflag:s21], $0x4000  }
0x6d: {  	[sflag:s21] =	ssyncset.done $0x0  }
0x6e: {  	[sflag:s21] =	ssyncadd.s32 $0xFFFFC000  }
0x6f: {  	[spmem:s3] =	stream.indirect.scatter.add.f32 [tilespmem:s17], [sflag:$0x4], $0x80, s24, s20, $0xb8;
	[tilespmem:$0x1C0C0] =	vst v63  }
0x70: {  	_ =	swait.ge [sflag:s21], $0x4000  }
0x71: {  	[sflag:s21] =	ssyncset.done $0x0  }
0x72: {  	[sflag:s21] =	ssyncadd.s32 $0xFFFFC000  }
0x73: {  	[tilespmem:s17], [sflag:$0x4] =	stream.indirect.gather [hbm4b:s0+s20], $0x80, s26, s20, $0xb8;
	[tilespmem:$0x1C0C0] =	vst v63  }
0x74: {  	_ =	swait.ge [sflag:s21], $0x4000  }
0x75: {  	[sflag:s21] =	ssyncset.done $0x0  }
0x76: {  	[sflag:s21] =	ssyncadd.s32 $0xFFFFC000  }
0x77: {  	[spmem:s3] =	stream.indirect.scatter.add.f32 [tilespmem:s17], [sflag:$0x4], $0x80, s28, s20, $0xb8;
	[tilespmem:$0x1C0C0] =	vst v63  }
0x78: {  	_ =	swait.ge [sflag:s21], $0x4000  }
0x79: {  	[sflag:s21] =	ssyncset.done $0x0  }
0x7a: {  	[sflag:s21] =	ssyncadd.s32 $0xFFFFC000  }
0x7b: {  	[tilespmem:s17], [sflag:$0x4] =	stream.indirect.gather [hbm4b:s0+s20], $0x80, s29, s20, $0xb8;
	[tilespmem:$0x1C0C0] =	vst v63  }
0x7c: {  	_ =	swait.ge [sflag:s21], $0x4000  }
0x7d: {  	[sflag:s21] =	ssyncset.done $0x0  }
0x7e: {  	[sflag:s21] =	ssyncadd.s32 $0xFFFFC000  }
0x7f: {  	[spmem:s3] =	stream.indirect.scatter.add.f32 [tilespmem:s17], [sflag:$0x4], $0x80, s30, s20, $0xb8;
	[tilespmem:$0x1C0C0] =	vst v63  }
0x80: {  	p1 =	seq.s32 s13, $0x900;
	_ =	swait.ge [sflag:s21], $0x4000  }
0x81: {  	s25 =	sadd.s32 @!p1 s13, s5;
	s19 =	simm.s32 @!p1 $0x0;
	[sflag:s21] =	ssyncset.done $0x0  }
0x82: {  	s12 =	simm.s32 @!p1 $0x138C0;
	s25 =	sadd.s32 @!p1 $0x100, s25;
	[sflag:s21] =	ssyncadd.s32 $0xFFFFC000  }
0x83: {  	[tilespmem:s12], [sflag:$0x2] =	stream.linear.gather @!p1 [hbm4b:s25+s19], $0x400, $0x38;
	[tilespmem:$0x1C0C0] =	vst v63  }
0x84: {  	_ =	swait.ge [sflag:s31], $0x400  }
0x85: {  	[sflag:s31] =	ssyncset.done $0x0  }
0x86: {  	[sflag:s31] =	ssyncadd.s32 $0xFFFFFC00  }
0x87: {  	[tilespmem:s17], [sflag:$0x4] =	stream.indirect.gather [hbm4b:s0+s20], $0x80, s16, s20, $0xb8;
	[tilespmem:$0x1C0C0] =	vst v63  }
0x88: {  	_ =	swait.ge [sflag:s21], $0x4000  }
0x89: {  	[sflag:s21] =	ssyncset.done $0x0  }
0x8a: {  	[sflag:s21] =	ssyncadd.s32 $0xFFFFC000  }
0x8b: {  	[spmem:s3] =	stream.indirect.scatter.add.f32 [tilespmem:s17], [sflag:$0x4], $0x80, s2, s20, $0xb8;
	[tilespmem:$0x1C0C0] =	vst v63  }
0x8c: {  	_ =	swait.ge [sflag:s21], $0x4000  }
0x8d: {  	[sflag:s21] =	ssyncset.done $0x0  }
0x8e: {  	[sflag:s21] =	ssyncadd.s32 $0xFFFFC000  }
0x8f: {  	[tilespmem:s17], [sflag:$0x4] =	stream.indirect.gather [hbm4b:s0+s20], $0x80, s1, s20, $0xb8;
	[tilespmem:$0x1C0C0] =	vst v63  }
0x90: {  	_ =	swait.ge [sflag:s21], $0x4000  }
0x91: {  	[sflag:s21] =	ssyncset.done $0x0  }
0x92: {  	[sflag:s21] =	ssyncadd.s32 $0xFFFFC000  }
0x93: {  	[spmem:s3] =	stream.indirect.scatter.add.f32 [tilespmem:s17], [sflag:$0x4], $0x80, s6, s20, $0xb8;
	[tilespmem:$0x1C0C0] =	vst v63  }
0x94: {  	_ =	swait.ge [sflag:s21], $0x4000  }
0x95: {  	[sflag:s21] =	ssyncset.done $0x0  }
0x96: {  	[sflag:s21] =	ssyncadd.s32 $0xFFFFC000  }
0x97: {  	[tilespmem:s17], [sflag:$0x4] =	stream.indirect.gather [hbm4b:s0+s20], $0x80, s8, s20, $0xb8;
	[tilespmem:$0x1C0C0] =	vst v63  }
0x98: {  	_ =	swait.ge [sflag:s21], $0x4000  }
0x99: {  	[sflag:s21] =	ssyncset.done $0x0  }
0x9a: {  	[sflag:s21] =	ssyncadd.s32 $0xFFFFC000  }
0x9b: {  	[spmem:s3] =	stream.indirect.scatter.add.f32 [tilespmem:s17], [sflag:$0x4], $0x80, s9, s20, $0xb8;
	[tilespmem:$0x1C0C0] =	vst v63  }
0x9c: {  	_ =	swait.ge [sflag:s21], $0x4000  }
0x9d: {  	[sflag:s21] =	ssyncset.done $0x0  }
0x9e: {  	[sflag:s21] =	ssyncadd.s32 $0xFFFFC000  }
0x9f: {  	[tilespmem:s17], [sflag:$0x4] =	stream.indirect.gather [hbm4b:s0+s20], $0x80, s10, s20, $0xb8;
	[tilespmem:$0x1C0C0] =	vst v63  }
0xa0: {  	_ =	swait.ge [sflag:s21], $0x4000  }
0xa1: {  	[sflag:s21] =	ssyncset.done $0x0  }
.Ltmp3:
0xa2: {  	[sflag:s21] =	ssyncadd.s32 $0xFFFFC000;
	(pc) =	sbr.rel @p1 .LBB2_6-.Ltmp3, $4  }
0xa3: {  	[spmem:s3] =	stream.indirect.scatter.add.f32 [tilespmem:s17], [sflag:$0x4], $0x80, s11, s20, $0xb8;
	[tilespmem:$0x1C0C0] =	vst v63  }
0xa4: {  	_ =	swait.ge [sflag:s21], $0x4000  }
0xa5: {  	[sflag:s21] =	ssyncset.done $0x0  }
0xa6: {  	[sflag:s21] =	ssyncadd.s32 $0xFFFFC000  }
.Ltmp4:
0xa7: {  	(pc) =	sbr.rel .LBB2_4-.Ltmp4, $4  }
0xa8: {  	_ = 	snop  }
0xa9: {  	s12 =	sadd.s32 s13, s5  }
0xaa: {  	s13 =	sadd.s32 $0x100, s13;
	s12 =	sadd.s32 $0x180, s12  }
0xab: {  	[tilespmem:s16], [sflag:$0x3] =	stream.linear.gather [hbm4b:s12+s4], $0x400, $0x38;
	[tilespmem:$0x1C0C0] =	vst v63  }
.LBB2_7:
0xac: {  	_ =	sfence.sel $0x180000  }
0xad: {  	[bflag:$0x0] =	sbarrier.arrive $0xFFFF  }
0xae: {  	_ =	strace $0x90000047  }
0xaf: {  	s0 =	stileid.u32;
	[bflag:$0x2] =	sbarrier.arrive $0xFFFF  }
0xb0: {  	p0 =	sne.s32 s0, $0x0;
	s0 =	rddreg [dreg:$0x4]  }
0xb1: {  	s0 =	sadd.s32 @!p0 $0x100000, s0  }
0xb2: {  	[sflag:s0] =	ssyncadd.tile.s32 @!p0 $0x1;
	_ =	shalt  }
.Lfunc_end2:
_tile_overlayer_lowered:
.L_overlay_start_2:
0xb3: {  	(tag) =	ssettag $0x2  }
0xb4: {  	s0 =	rddreg [dreg:$0x0];
	s2 =	stileid.u32  }
0xb5: {  	s1 =	rddreg [dreg:$0x1];
	p0 =	sne.s32 s2, $0x0  }
0xb6: {  	s3 =	rddreg [dreg:$0x2];
	[bflag:$0x3] =	sbarrier.arrive $0xFFFF;
	s2 =	simm.s32 @!p0 $0x1C04  }
0xb7: {  	[timem:s3], [sflag:s2] =	dma.local @!p0 [hbm:s0], s1  }
0xb8: {  	s0 =	simm.s32 @!p0 $0x4  }
0xb9: {  	_ =	swait.ge @!p0 [sflag:s0], s1  }
0xba: {  	s1 =	ssub.s32 @!p0 $0x0, s1;
	[sflag:s0] =	ssyncset.done @!p0 $0x0  }
0xbb: {  	[sflag:s0] =	ssyncadd.s32 @!p0 s1  }
0xbc: {  	[bflag:$0x3] =	sbarrier.arrive $0xFFFF  }
0xbd: {  	_ =	shalt  }

</sc_bundles>
